<compile_context>
chip_gen: v7x
topology: tpu7x:2x2x1
jax: 0.10.2.dev20260603
libtpu: 0.0.44.dev20260713+nightly
codegen_flags: <defaults>
</compile_context>

<pallas_src>
import functools

import jax
import jax.numpy as jnp
from jax import lax
from jax.experimental import pallas as pl
from jax.experimental.pallas import tpu as pltpu
from jax.experimental.pallas import tpu_sc as plsc

NCLS = 35
KP = 64
LAM = 0.2
D = 512
N = 16384

N_SC = 4096
N_TC = N - N_SC
R = 2048
G = N_TC // R

NW = 32
RPW = N_SC // NW
CH = 64
NCH = RPW // CH
AC = 640



def _tc_body(x_ref, lab_ref, sums_ref, aux_ref):
    i = pl.program_id(0)

    @pl.when(i == 0)
    def _init():
        sums_ref[...] = jnp.zeros_like(sums_ref)
        aux_ref[...] = jnp.zeros_like(aux_ref)

    x = x_ref[...]
    r = jnp.sum(x * x, axis=1, keepdims=True)
    scale = 1.0 / jnp.maximum(jnp.sqrt(r), 1e-12)
    lab = lab_ref[0, 0, :]
    iota = lax.broadcasted_iota(jnp.int32, (R, KP), 1)
    onehot = (lab[:, None] == iota).astype(jnp.float32)
    oh_scaled = (onehot * scale).astype(jnp.bfloat16)
    sums_ref[...] += lax.dot_general(
        oh_scaled, x.astype(jnp.bfloat16), (((0,), (0,)), ((), ())),
        preferred_element_type=jnp.float32)
    iota2 = lax.broadcasted_iota(jnp.int32, (R, 128), 1)
    v2 = jnp.where(iota2 == 0, 1.0, jnp.where(iota2 == 1, r * scale * scale, 0.0))
    aux_ref[...] += lax.dot_general(
        onehot, v2, (((0,), (0,)), ((), ())),
        preferred_element_type=jnp.float32)


def _tc_partials(x_tc, lab3):
    return pl.pallas_call(
        _tc_body,
        grid=(G,),
        in_specs=[
            pl.BlockSpec((R, D), lambda i: (i, 0)),
            pl.BlockSpec((1, 1, R), lambda i: (i, 0, 0)),
        ],
        out_specs=[
            pl.BlockSpec((KP, D), lambda i: (0, 0)),
            pl.BlockSpec((KP, 128), lambda i: (0, 0)),
        ],
        out_shape=[
            jax.ShapeDtypeStruct((KP, D), jnp.float32),
            jax.ShapeDtypeStruct((KP, 128), jnp.float32),
        ],
    )(x_tc, lab3)



def _sc_body(x_hbm, lab_hbm, out_hbm, rows_v, lab_v, acc_v):
    c = lax.axis_index("c")
    s = lax.axis_index("s")
    wid = s * 2 + c
    base = N_TC + wid * RPW
    pltpu.sync_copy(lab_hbm.at[pl.ds(base, RPW)], lab_v.at[pl.ds(0, RPW)])

    zeros16 = jnp.zeros((16,), jnp.float32)

    def zero_row(k, carry):
        for cc in range(AC // 16):
            acc_v[k, pl.ds(cc * 16, 16)] = zeros16
        return carry

    lax.fori_loop(0, NCLS, zero_row, 0)

    i16 = lax.iota(jnp.int32, 16)

    def do_chunk(ci, carry):
        pltpu.sync_copy(x_hbm.at[pl.ds(base + ci * CH, CH)], rows_v)

        def do_row(j, inner):
            racc0 = zeros16
            racc1 = zeros16
            racc2 = zeros16
            racc3 = zeros16
            for cc in range(0, D // 16, 4):
                xv0 = rows_v[j, pl.ds(cc * 16, 16)]
                xv1 = rows_v[j, pl.ds((cc + 1) * 16, 16)]
                xv2 = rows_v[j, pl.ds((cc + 2) * 16, 16)]
                xv3 = rows_v[j, pl.ds((cc + 3) * 16, 16)]
                racc0 = racc0 + xv0 * xv0
                racc1 = racc1 + xv1 * xv1
                racc2 = racc2 + xv2 * xv2
                racc3 = racc3 + xv3 * xv3
            rv = jnp.full((16,), jnp.sum((racc0 + racc1) + (racc2 + racc3)))
            ii = 0x5F3759DF - (plsc.bitcast(rv, jnp.int32) >> 1)
            y = plsc.bitcast(ii, jnp.float32)
            y = y * (1.5 - 0.5 * rv * y * y)
            y = y * (1.5 - 0.5 * rv * y * y)
            y = y * (1.5 - 0.5 * rv * y * y)
            scale = jnp.where(rv < 1e-24, 1e12, y)
            lab = lab_v[pl.ds(ci * CH + j, 16)][0]
            for cc in range(D // 16):
                xv = rows_v[j, pl.ds(cc * 16, 16)]
                plsc.addupdate(acc_v.at[lab, pl.ds(cc * 16, 16)], xv * scale)
            s2v = rv * scale * scale
            extra = jnp.where(i16 == 0, 1.0, jnp.where(i16 == 1, s2v, 0.0))
            plsc.addupdate(acc_v.at[lab, pl.ds(D, 16)], extra)
            return inner

        lax.fori_loop(0, CH, do_row, 0, unroll=2)
        return carry

    lax.fori_loop(0, NCH, do_chunk, 0)
    pltpu.sync_copy(acc_v, out_hbm.at[wid])


_sc_stats = functools.partial(
    pl.kernel,
    mesh=plsc.VectorSubcoreMesh(core_axis_name="c", subcore_axis_name="s"),
    compiler_params=pltpu.CompilerParams(needs_layout_passes=False),
    out_type=jax.ShapeDtypeStruct((NW, NCLS, AC), jnp.float32),
    scratch_types=[
        pltpu.VMEM((CH, D), jnp.float32),
        pltpu.VMEM((RPW + 16,), jnp.int32),
        pltpu.VMEM((NCLS, AC), jnp.float32),
    ],
)(_sc_body)



def _fin_body(tsums_ref, taux_ref, p_ref, out_ref):
    sc = jnp.sum(p_ref[...], axis=0)
    sums = tsums_ref[0:NCLS, :] + sc[:, 0:D]
    cnt = taux_ref[0:NCLS, 0:1] + sc[:, D:D + 1]
    s2 = taux_ref[0:NCLS, 1:2] + sc[:, D + 1:D + 2]
    ssq = jnp.sum(sums * sums, axis=1, keepdims=True)
    safe = jnp.maximum(cnt, 1.0)
    contrib = jnp.where(cnt > 0.0, (s2 - ssq / safe) / safe, 0.0)
    out_ref[...] = LAM * jnp.sum(contrib, keepdims=True)


@jax.jit
def kernel(input, label):
    lab3 = label[:N_TC].reshape(G, 1, R)
    tsums, taux = _tc_partials(input, lab3)
    partials = _sc_stats(input, label)
    out = pl.pallas_call(
        _fin_body,
        in_specs=[
            pl.BlockSpec((KP, D), lambda: (0, 0)),
            pl.BlockSpec((KP, 128), lambda: (0, 0)),
            pl.BlockSpec((NW, NCLS, AC), lambda: (0, 0, 0)),
        ],
        out_specs=pl.BlockSpec((1, 1), lambda: (0, 0)),
        out_shape=jax.ShapeDtypeStruct((1, 1), jnp.float32),
    )(tsums, taux, partials)
    return out[0, 0]

# --- scband reference (transcript-rebuilt; emitter-appended) ---
"""Pipeline reference for scband-center-loss-13374528160187 (READ-ONLY COPY).

The authoritative reference and input builder live on the scoring server;
editing this copy changes nothing except your own understanding.
"""

import jax, jax.numpy as jnp
import numpy as np

NUM_CLASSES = 35
LAMDA = 0.2

def setup_inputs(seed: int = 0) -> dict:
    key = jax.random.key(seed)
    k1, k2 = jax.random.split(key)
    x = jax.random.normal(k1, (16384, 512), dtype=jnp.float32)
    label = jax.random.randint(k2, (16384,), 0, NUM_CLASSES, dtype=jnp.int32)
    return {"input": x, "label": label}


def reference(input, label):
    # F.normalize(input): x / max(||x||_2, eps) per row, eps=1e-12
    norm = jnp.linalg.norm(input, axis=1, keepdims=True)
    normalized = input / jnp.maximum(norm, 1e-12)
    # per-class counts and sums (torch loop over 35 classes with masking)
    counts = jnp.bincount(label, length=NUM_CLASSES)
    sums = jax.ops.segment_sum(normalized, label, num_segments=NUM_CLASSES)
    safe_counts = jnp.maximum(counts, 1).astype(input.dtype)
    centers = jnp.where(counts[:, None] > 0, sums / safe_counts[:, None], jnp.zeros_like(sums))
    # gather centers and counts back per-sample
    extended_centers = centers[label]
    extended_label_num = counts[label].astype(input.dtype)
    difference = jnp.sum((normalized - extended_centers) ** 2, axis=1)
    center_loss = jnp.sum(difference / extended_label_num)
    return LAMDA * center_loss

if __name__ == "__main__":
    import jax
    _d = setup_inputs()
    print(jax.jit(kernel)(*tuple(_d.values())))

</pallas_src>

<mosaic_0001>
#map = affine_map<(d0, d1) -> (0, 0)>
#map1 = affine_map<(d0, d1) -> (0)>
#map2 = affine_map<(d0, d1) -> (0, 0, 0)>
module attributes {stable_mosaic.version = 14 : i64} {
  func.func @_sc_body(%arg0: i32, %arg1: i32, %arg2: memref<16384x512xf32, #tpu.memory_space<hbm>>, %arg3: memref<16384xi32, #tpu.memory_space<hbm>>, %arg4: memref<32x35x640xf32, #tpu.memory_space<hbm>>, %arg5: memref<64x512xf32, #tpu.memory_space<vmem>>, %arg6: memref<144xi32, #tpu.memory_space<vmem>>, %arg7: memref<35x640xf32, #tpu.memory_space<vmem>>) attributes {dimension_semantics = [#tpu.dimension_semantics<core_parallel>, #tpu.dimension_semantics<subcore_parallel>], iteration_bounds = array<i64: 2, 16>, scalar_prefetch = 0 : i64, scratch_operands = 3 : i64, tpu.core_type = #tpu.core_type<sc_vector_subcore>, window_params = [{transform_indices = #map}, {transform_indices = #map1}, {transform_indices = #map2}]} {
    %mul3A = arith.constant 2 : i32
    %mul3A_0 = arith.muli %arg1, %mul3A : i32
    %add3A = arith.addi %mul3A_0, %arg0 : i32
    %mul3A_1 = arith.constant 128 : i32
    %mul3A_2 = arith.muli %add3A, %mul3A_1 : i32
    %add3A_3 = arith.constant 12288 : i32
    %add3A_4 = arith.addi %add3A_3, %mul3A_2 : i32
    "tpu.region"() ({
      %run_scoped3A = tpu.sem_alloc : memref<!tpu.dma_semaphore, #tpu.memory_space<semaphore_mem>>
      %dma_start3A = arith.constant 0 : i32
      %dma_start3A_17 = tpu.memref_slice %arg6[%dma_start3A] : memref<144xi32, #tpu.memory_space<vmem>> -> memref<128xi32, #tpu.memory_space<vmem>>
      %dma_start3A_18 = tpu.memref_slice %arg3[%add3A_4] : memref<16384xi32, #tpu.memory_space<hbm>> -> memref<128xi32, #tpu.memory_space<hbm>>
      %dma_start3A_19 = arith.constant 0 : i32
      %dma_start3A_20 = tpu.memref_slice %arg6[%dma_start3A_19] : memref<144xi32, #tpu.memory_space<vmem>> -> memref<128xi32, #tpu.memory_space<vmem>>
      %dma_start3A_21 = tpu.memref_slice %arg3[%add3A_4] : memref<16384xi32, #tpu.memory_space<hbm>> -> memref<128xi32, #tpu.memory_space<hbm>>
      tpu.enqueue_dma source(%dma_start3A_21 : memref<128xi32, #tpu.memory_space<hbm>>) target(%dma_start3A_20 : memref<128xi32, #tpu.memory_space<vmem>>) target_semaphore(%run_scoped3A : memref<!tpu.dma_semaphore, #tpu.memory_space<semaphore_mem>>)
      %dma_wait3A = arith.constant 0 : i32
      %dma_wait3A_22 = tpu.memref_slice %arg6[%dma_wait3A] : memref<144xi32, #tpu.memory_space<vmem>> -> memref<128xi32, #tpu.memory_space<vmem>>
      %dma_wait3A_23 = tpu.memref_slice %arg3[%add3A_4] : memref<16384xi32, #tpu.memory_space<hbm>> -> memref<128xi32, #tpu.memory_space<hbm>>
      %dma_wait3A_24 = arith.constant 0 : i32
      %dma_wait3A_25 = tpu.memref_slice %arg6[%dma_wait3A_24] : memref<144xi32, #tpu.memory_space<vmem>> -> memref<128xi32, #tpu.memory_space<vmem>>
      %dma_wait3A_26 = tpu.memref_slice %arg3[%add3A_4] : memref<16384xi32, #tpu.memory_space<hbm>> -> memref<128xi32, #tpu.memory_space<hbm>>
      tpu.wait_dma2 semaphore(%run_scoped3A : memref<!tpu.dma_semaphore, #tpu.memory_space<semaphore_mem>>) src(%dma_wait3A_26 : memref<128xi32, #tpu.memory_space<hbm>>) dst(%dma_wait3A_25 : memref<128xi32, #tpu.memory_space<vmem>>)
      tpu.yield
    }) : () -> ()
    %broadcast_in_dim3A = arith.constant 0.000000e+00 : f32
    %broadcast_in_dim3A_5 = vector.broadcast %broadcast_in_dim3A : f32 to vector<16xf32>
    %scan3A = arith.constant 0 : i32
    %scan3A_6 = arith.constant 0 : i32
    %scan3A_7 = arith.constant 35 : i32
    %scan3A_8 = arith.addi %scan3A_6, %scan3A_7 : i32
    %scan3A_9 = arith.constant 1 : i32
    scf.for %scan3A_17 = %scan3A_6 to %scan3A_8 step %scan3A_9  : i32 {
      %swap3A = arith.index_cast %scan3A_17 : i32 to index
      %swap3A_18 = arith.constant 0 : index
      %swap3A_19 = tpu.vector_load %arg7[%swap3A, %swap3A_18] {strides = array<i32>} : memref<35x640xf32, #tpu.memory_space<vmem>>, vector<16xf32>,
      tpu.vector_store %arg7[%swap3A, %swap3A_18], %broadcast_in_dim3A_5 {strides = array<i32>} : memref<35x640xf32, #tpu.memory_space<vmem>>, vector<16xf32>,
      %swap3A_20 = arith.index_cast %scan3A_17 : i32 to index
      %swap3A_21 = arith.constant 16 : index
      %swap3A_22 = tpu.vector_load %arg7[%swap3A_20, %swap3A_21] {strides = array<i32>} : memref<35x640xf32, #tpu.memory_space<vmem>>, vector<16xf32>,
      tpu.vector_store %arg7[%swap3A_20, %swap3A_21], %broadcast_in_dim3A_5 {strides = array<i32>} : memref<35x640xf32, #tpu.memory_space<vmem>>, vector<16xf32>,
      %swap3A_23 = arith.index_cast %scan3A_17 : i32 to index
      %swap3A_24 = arith.constant 32 : index
      %swap3A_25 = tpu.vector_load %arg7[%swap3A_23, %swap3A_24] {strides = array<i32>} : memref<35x640xf32, #tpu.memory_space<vmem>>, vector<16xf32>,
      tpu.vector_store %arg7[%swap3A_23, %swap3A_24], %broadcast_in_dim3A_5 {strides = array<i32>} : memref<35x640xf32, #tpu.memory_space<vmem>>, vector<16xf32>,
      %swap3A_26 = arith.index_cast %scan3A_17 : i32 to index
      %swap3A_27 = arith.constant 48 : index
      %swap3A_28 = tpu.vector_load %arg7[%swap3A_26, %swap3A_27] {strides = array<i32>} : memref<35x640xf32, #tpu.memory_space<vmem>>, vector<16xf32>,
      tpu.vector_store %arg7[%swap3A_26, %swap3A_27], %broadcast_in_dim3A_5 {strides = array<i32>} : memref<35x640xf32, #tpu.memory_space<vmem>>, vector<16xf32>,
      %swap3A_29 = arith.index_cast %scan3A_17 : i32 to index
      %swap3A_30 = arith.constant 64 : index
      %swap3A_31 = tpu.vector_load %arg7[%swap3A_29, %swap3A_30] {strides = array<i32>} : memref<35x640xf32, #tpu.memory_space<vmem>>, vector<16xf32>,
      tpu.vector_store %arg7[%swap3A_29, %swap3A_30], %broadcast_in_dim3A_5 {strides = array<i32>} : memref<35x640xf32, #tpu.memory_space<vmem>>, vector<16xf32>,
      %swap3A_32 = arith.index_cast %scan3A_17 : i32 to index
      %swap3A_33 = arith.constant 80 : index
      %swap3A_34 = tpu.vector_load %arg7[%swap3A_32, %swap3A_33] {strides = array<i32>} : memref<35x640xf32, #tpu.memory_space<vmem>>, vector<16xf32>,
      tpu.vector_store %arg7[%swap3A_32, %swap3A_33], %broadcast_in_dim3A_5 {strides = array<i32>} : memref<35x640xf32, #tpu.memory_space<vmem>>, vector<16xf32>,
      %swap3A_35 = arith.index_cast %scan3A_17 : i32 to index
      %swap3A_36 = arith.constant 96 : index
      %swap3A_37 = tpu.vector_load %arg7[%swap3A_35, %swap3A_36] {strides = array<i32>} : memref<35x640xf32, #tpu.memory_space<vmem>>, vector<16xf32>,
      tpu.vector_store %arg7[%swap3A_35, %swap3A_36], %broadcast_in_dim3A_5 {strides = array<i32>} : memref<35x640xf32, #tpu.memory_space<vmem>>, vector<16xf32>,
      %swap3A_38 = arith.index_cast %scan3A_17 : i32 to index
      %swap3A_39 = arith.constant 112 : index
      %swap3A_40 = tpu.vector_load %arg7[%swap3A_38, %swap3A_39] {strides = array<i32>} : memref<35x640xf32, #tpu.memory_space<vmem>>, vector<16xf32>,
      tpu.vector_store %arg7[%swap3A_38, %swap3A_39], %broadcast_in_dim3A_5 {strides = array<i32>} : memref<35x640xf32, #tpu.memory_space<vmem>>, vector<16xf32>,
      %swap3A_41 = arith.index_cast %scan3A_17 : i32 to index
      %swap3A_42 = arith.constant 128 : index
      %swap3A_43 = tpu.vector_load %arg7[%swap3A_41, %swap3A_42] {strides = array<i32>} : memref<35x640xf32, #tpu.memory_space<vmem>>, vector<16xf32>,
      tpu.vector_store %arg7[%swap3A_41, %swap3A_42], %broadcast_in_dim3A_5 {strides = array<i32>} : memref<35x640xf32, #tpu.memory_space<vmem>>, vector<16xf32>,
      %swap3A_44 = arith.index_cast %scan3A_17 : i32 to index
      %swap3A_45 = arith.constant 144 : index
      %swap3A_46 = tpu.vector_load %arg7[%swap3A_44, %swap3A_45] {strides = array<i32>} : memref<35x640xf32, #tpu.memory_space<vmem>>, vector<16xf32>,
      tpu.vector_store %arg7[%swap3A_44, %swap3A_45], %broadcast_in_dim3A_5 {strides = array<i32>} : memref<35x640xf32, #tpu.memory_space<vmem>>, vector<16xf32>,
      %swap3A_47 = arith.index_cast %scan3A_17 : i32 to index
      %swap3A_48 = arith.constant 160 : index
      %swap3A_49 = tpu.vector_load %arg7[%swap3A_47, %swap3A_48] {strides = array<i32>} : memref<35x640xf32, #tpu.memory_space<vmem>>, vector<16xf32>,
      tpu.vector_store %arg7[%swap3A_47, %swap3A_48], %broadcast_in_dim3A_5 {strides = array<i32>} : memref<35x640xf32, #tpu.memory_space<vmem>>, vector<16xf32>,
      %swap3A_50 = arith.index_cast %scan3A_17 : i32 to index
      %swap3A_51 = arith.constant 176 : index
      %swap3A_52 = tpu.vector_load %arg7[%swap3A_50, %swap3A_51] {strides = array<i32>} : memref<35x640xf32, #tpu.memory_space<vmem>>, vector<16xf32>,
      tpu.vector_store %arg7[%swap3A_50, %swap3A_51], %broadcast_in_dim3A_5 {strides = array<i32>} : memref<35x640xf32, #tpu.memory_space<vmem>>, vector<16xf32>,
      %swap3A_53 = arith.index_cast %scan3A_17 : i32 to index
      %swap3A_54 = arith.constant 192 : index
      %swap3A_55 = tpu.vector_load %arg7[%swap3A_53, %swap3A_54] {strides = array<i32>} : memref<35x640xf32, #tpu.memory_space<vmem>>, vector<16xf32>,
      tpu.vector_store %arg7[%swap3A_53, %swap3A_54], %broadcast_in_dim3A_5 {strides = array<i32>} : memref<35x640xf32, #tpu.memory_space<vmem>>, vector<16xf32>,
      %swap3A_56 = arith.index_cast %scan3A_17 : i32 to index
      %swap3A_57 = arith.constant 208 : index
      %swap3A_58 = tpu.vector_load %arg7[%swap3A_56, %swap3A_57] {strides = array<i32>} : memref<35x640xf32, #tpu.memory_space<vmem>>, vector<16xf32>,
      tpu.vector_store %arg7[%swap3A_56, %swap3A_57], %broadcast_in_dim3A_5 {strides = array<i32>} : memref<35x640xf32, #tpu.memory_space<vmem>>, vector<16xf32>,
      %swap3A_59 = arith.index_cast %scan3A_17 : i32 to index
      %swap3A_60 = arith.constant 224 : index
      %swap3A_61 = tpu.vector_load %arg7[%swap3A_59, %swap3A_60] {strides = array<i32>} : memref<35x640xf32, #tpu.memory_space<vmem>>, vector<16xf32>,
      tpu.vector_store %arg7[%swap3A_59, %swap3A_60], %broadcast_in_dim3A_5 {strides = array<i32>} : memref<35x640xf32, #tpu.memory_space<vmem>>, vector<16xf32>,
      %swap3A_62 = arith.index_cast %scan3A_17 : i32 to index
      %swap3A_63 = arith.constant 240 : index
      %swap3A_64 = tpu.vector_load %arg7[%swap3A_62, %swap3A_63] {strides = array<i32>} : memref<35x640xf32, #tpu.memory_space<vmem>>, vector<16xf32>,
      tpu.vector_store %arg7[%swap3A_62, %swap3A_63], %broadcast_in_dim3A_5 {strides = array<i32>} : memref<35x640xf32, #tpu.memory_space<vmem>>, vector<16xf32>,
      %swap3A_65 = arith.index_cast %scan3A_17 : i32 to index
      %swap3A_66 = arith.constant 256 : index
      %swap3A_67 = tpu.vector_load %arg7[%swap3A_65, %swap3A_66] {strides = array<i32>} : memref<35x640xf32, #tpu.memory_space<vmem>>, vector<16xf32>,
      tpu.vector_store %arg7[%swap3A_65, %swap3A_66], %broadcast_in_dim3A_5 {strides = array<i32>} : memref<35x640xf32, #tpu.memory_space<vmem>>, vector<16xf32>,
      %swap3A_68 = arith.index_cast %scan3A_17 : i32 to index
      %swap3A_69 = arith.constant 272 : index
      %swap3A_70 = tpu.vector_load %arg7[%swap3A_68, %swap3A_69] {strides = array<i32>} : memref<35x640xf32, #tpu.memory_space<vmem>>, vector<16xf32>,
      tpu.vector_store %arg7[%swap3A_68, %swap3A_69], %broadcast_in_dim3A_5 {strides = array<i32>} : memref<35x640xf32, #tpu.memory_space<vmem>>, vector<16xf32>,
      %swap3A_71 = arith.index_cast %scan3A_17 : i32 to index
      %swap3A_72 = arith.constant 288 : index
      %swap3A_73 = tpu.vector_load %arg7[%swap3A_71, %swap3A_72] {strides = array<i32>} : memref<35x640xf32, #tpu.memory_space<vmem>>, vector<16xf32>,
      tpu.vector_store %arg7[%swap3A_71, %swap3A_72], %broadcast_in_dim3A_5 {strides = array<i32>} : memref<35x640xf32, #tpu.memory_space<vmem>>, vector<16xf32>,
      %swap3A_74 = arith.index_cast %scan3A_17 : i32 to index
      %swap3A_75 = arith.constant 304 : index
      %swap3A_76 = tpu.vector_load %arg7[%swap3A_74, %swap3A_75] {strides = array<i32>} : memref<35x640xf32, #tpu.memory_space<vmem>>, vector<16xf32>,
      tpu.vector_store %arg7[%swap3A_74, %swap3A_75], %broadcast_in_dim3A_5 {strides = array<i32>} : memref<35x640xf32, #tpu.memory_space<vmem>>, vector<16xf32>,
      %swap3A_77 = arith.index_cast %scan3A_17 : i32 to index
      %swap3A_78 = arith.constant 320 : index
      %swap3A_79 = tpu.vector_load %arg7[%swap3A_77, %swap3A_78] {strides = array<i32>} : memref<35x640xf32, #tpu.memory_space<vmem>>, vector<16xf32>,
      tpu.vector_store %arg7[%swap3A_77, %swap3A_78], %broadcast_in_dim3A_5 {strides = array<i32>} : memref<35x640xf32, #tpu.memory_space<vmem>>, vector<16xf32>,
      %swap3A_80 = arith.index_cast %scan3A_17 : i32 to index
      %swap3A_81 = arith.constant 336 : index
      %swap3A_82 = tpu.vector_load %arg7[%swap3A_80, %swap3A_81] {strides = array<i32>} : memref<35x640xf32, #tpu.memory_space<vmem>>, vector<16xf32>,
      tpu.vector_store %arg7[%swap3A_80, %swap3A_81], %broadcast_in_dim3A_5 {strides = array<i32>} : memref<35x640xf32, #tpu.memory_space<vmem>>, vector<16xf32>,
      %swap3A_83 = arith.index_cast %scan3A_17 : i32 to index
      %swap3A_84 = arith.constant 352 : index
      %swap3A_85 = tpu.vector_load %arg7[%swap3A_83, %swap3A_84] {strides = array<i32>} : memref<35x640xf32, #tpu.memory_space<vmem>>, vector<16xf32>,
      tpu.vector_store %arg7[%swap3A_83, %swap3A_84], %broadcast_in_dim3A_5 {strides = array<i32>} : memref<35x640xf32, #tpu.memory_space<vmem>>, vector<16xf32>,
      %swap3A_86 = arith.index_cast %scan3A_17 : i32 to index
      %swap3A_87 = arith.constant 368 : index
      %swap3A_88 = tpu.vector_load %arg7[%swap3A_86, %swap3A_87] {strides = array<i32>} : memref<35x640xf32, #tpu.memory_space<vmem>>, vector<16xf32>,
      tpu.vector_store %arg7[%swap3A_86, %swap3A_87], %broadcast_in_dim3A_5 {strides = array<i32>} : memref<35x640xf32, #tpu.memory_space<vmem>>, vector<16xf32>,
      %swap3A_89 = arith.index_cast %scan3A_17 : i32 to index
      %swap3A_90 = arith.constant 384 : index
      %swap3A_91 = tpu.vector_load %arg7[%swap3A_89, %swap3A_90] {strides = array<i32>} : memref<35x640xf32, #tpu.memory_space<vmem>>, vector<16xf32>,
      tpu.vector_store %arg7[%swap3A_89, %swap3A_90], %broadcast_in_dim3A_5 {strides = array<i32>} : memref<35x640xf32, #tpu.memory_space<vmem>>, vector<16xf32>,
      %swap3A_92 = arith.index_cast %scan3A_17 : i32 to index
      %swap3A_93 = arith.constant 400 : index
      %swap3A_94 = tpu.vector_load %arg7[%swap3A_92, %swap3A_93] {strides = array<i32>} : memref<35x640xf32, #tpu.memory_space<vmem>>, vector<16xf32>,
      tpu.vector_store %arg7[%swap3A_92, %swap3A_93], %broadcast_in_dim3A_5 {strides = array<i32>} : memref<35x640xf32, #tpu.memory_space<vmem>>, vector<16xf32>,
      %swap3A_95 = arith.index_cast %scan3A_17 : i32 to index
      %swap3A_96 = arith.constant 416 : index
      %swap3A_97 = tpu.vector_load %arg7[%swap3A_95, %swap3A_96] {strides = array<i32>} : memref<35x640xf32, #tpu.memory_space<vmem>>, vector<16xf32>,
      tpu.vector_store %arg7[%swap3A_95, %swap3A_96], %broadcast_in_dim3A_5 {strides = array<i32>} : memref<35x640xf32, #tpu.memory_space<vmem>>, vector<16xf32>,
      %swap3A_98 = arith.index_cast %scan3A_17 : i32 to index
      %swap3A_99 = arith.constant 432 : index
      %swap3A_100 = tpu.vector_load %arg7[%swap3A_98, %swap3A_99] {strides = array<i32>} : memref<35x640xf32, #tpu.memory_space<vmem>>, vector<16xf32>,
      tpu.vector_store %arg7[%swap3A_98, %swap3A_99], %broadcast_in_dim3A_5 {strides = array<i32>} : memref<35x640xf32, #tpu.memory_space<vmem>>, vector<16xf32>,
      %swap3A_101 = arith.index_cast %scan3A_17 : i32 to index
      %swap3A_102 = arith.constant 448 : index
      %swap3A_103 = tpu.vector_load %arg7[%swap3A_101, %swap3A_102] {strides = array<i32>} : memref<35x640xf32, #tpu.memory_space<vmem>>, vector<16xf32>,
      tpu.vector_store %arg7[%swap3A_101, %swap3A_102], %broadcast_in_dim3A_5 {strides = array<i32>} : memref<35x640xf32, #tpu.memory_space<vmem>>, vector<16xf32>,
      %swap3A_104 = arith.index_cast %scan3A_17 : i32 to index
      %swap3A_105 = arith.constant 464 : index
      %swap3A_106 = tpu.vector_load %arg7[%swap3A_104, %swap3A_105] {strides = array<i32>} : memref<35x640xf32, #tpu.memory_space<vmem>>, vector<16xf32>,
      tpu.vector_store %arg7[%swap3A_104, %swap3A_105], %broadcast_in_dim3A_5 {strides = array<i32>} : memref<35x640xf32, #tpu.memory_space<vmem>>, vector<16xf32>,
      %swap3A_107 = arith.index_cast %scan3A_17 : i32 to index
      %swap3A_108 = arith.constant 480 : index
      %swap3A_109 = tpu.vector_load %arg7[%swap3A_107, %swap3A_108] {strides = array<i32>} : memref<35x640xf32, #tpu.memory_space<vmem>>, vector<16xf32>,
      tpu.vector_store %arg7[%swap3A_107, %swap3A_108], %broadcast_in_dim3A_5 {strides = array<i32>} : memref<35x640xf32, #tpu.memory_space<vmem>>, vector<16xf32>,
      %swap3A_110 = arith.index_cast %scan3A_17 : i32 to index
      %swap3A_111 = arith.constant 496 : index
      %swap3A_112 = tpu.vector_load %arg7[%swap3A_110, %swap3A_111] {strides = array<i32>} : memref<35x640xf32, #tpu.memory_space<vmem>>, vector<16xf32>,
      tpu.vector_store %arg7[%swap3A_110, %swap3A_111], %broadcast_in_dim3A_5 {strides = array<i32>} : memref<35x640xf32, #tpu.memory_space<vmem>>, vector<16xf32>,
      %swap3A_113 = arith.index_cast %scan3A_17 : i32 to index
      %swap3A_114 = arith.constant 512 : index
      %swap3A_115 = tpu.vector_load %arg7[%swap3A_113, %swap3A_114] {strides = array<i32>} : memref<35x640xf32, #tpu.memory_space<vmem>>, vector<16xf32>,
      tpu.vector_store %arg7[%swap3A_113, %swap3A_114], %broadcast_in_dim3A_5 {strides = array<i32>} : memref<35x640xf32, #tpu.memory_space<vmem>>, vector<16xf32>,
      %swap3A_116 = arith.index_cast %scan3A_17 : i32 to index
      %swap3A_117 = arith.constant 528 : index
      %swap3A_118 = tpu.vector_load %arg7[%swap3A_116, %swap3A_117] {strides = array<i32>} : memref<35x640xf32, #tpu.memory_space<vmem>>, vector<16xf32>,
      tpu.vector_store %arg7[%swap3A_116, %swap3A_117], %broadcast_in_dim3A_5 {strides = array<i32>} : memref<35x640xf32, #tpu.memory_space<vmem>>, vector<16xf32>,
      %swap3A_119 = arith.index_cast %scan3A_17 : i32 to index
      %swap3A_120 = arith.constant 544 : index
      %swap3A_121 = tpu.vector_load %arg7[%swap3A_119, %swap3A_120] {strides = array<i32>} : memref<35x640xf32, #tpu.memory_space<vmem>>, vector<16xf32>,
      tpu.vector_store %arg7[%swap3A_119, %swap3A_120], %broadcast_in_dim3A_5 {strides = array<i32>} : memref<35x640xf32, #tpu.memory_space<vmem>>, vector<16xf32>,
      %swap3A_122 = arith.index_cast %scan3A_17 : i32 to index
      %swap3A_123 = arith.constant 560 : index
      %swap3A_124 = tpu.vector_load %arg7[%swap3A_122, %swap3A_123] {strides = array<i32>} : memref<35x640xf32, #tpu.memory_space<vmem>>, vector<16xf32>,
      tpu.vector_store %arg7[%swap3A_122, %swap3A_123], %broadcast_in_dim3A_5 {strides = array<i32>} : memref<35x640xf32, #tpu.memory_space<vmem>>, vector<16xf32>,
      %swap3A_125 = arith.index_cast %scan3A_17 : i32 to index
      %swap3A_126 = arith.constant 576 : index
      %swap3A_127 = tpu.vector_load %arg7[%swap3A_125, %swap3A_126] {strides = array<i32>} : memref<35x640xf32, #tpu.memory_space<vmem>>, vector<16xf32>,
      tpu.vector_store %arg7[%swap3A_125, %swap3A_126], %broadcast_in_dim3A_5 {strides = array<i32>} : memref<35x640xf32, #tpu.memory_space<vmem>>, vector<16xf32>,
      %swap3A_128 = arith.index_cast %scan3A_17 : i32 to index
      %swap3A_129 = arith.constant 592 : index
      %swap3A_130 = tpu.vector_load %arg7[%swap3A_128, %swap3A_129] {strides = array<i32>} : memref<35x640xf32, #tpu.memory_space<vmem>>, vector<16xf32>,
      tpu.vector_store %arg7[%swap3A_128, %swap3A_129], %broadcast_in_dim3A_5 {strides = array<i32>} : memref<35x640xf32, #tpu.memory_space<vmem>>, vector<16xf32>,
      %swap3A_131 = arith.index_cast %scan3A_17 : i32 to index
      %swap3A_132 = arith.constant 608 : index
      %swap3A_133 = tpu.vector_load %arg7[%swap3A_131, %swap3A_132] {strides = array<i32>} : memref<35x640xf32, #tpu.memory_space<vmem>>, vector<16xf32>,
      tpu.vector_store %arg7[%swap3A_131, %swap3A_132], %broadcast_in_dim3A_5 {strides = array<i32>} : memref<35x640xf32, #tpu.memory_space<vmem>>, vector<16xf32>,
      %swap3A_134 = arith.index_cast %scan3A_17 : i32 to index
      %swap3A_135 = arith.constant 624 : index
      %swap3A_136 = tpu.vector_load %arg7[%swap3A_134, %swap3A_135] {strides = array<i32>} : memref<35x640xf32, #tpu.memory_space<vmem>>, vector<16xf32>,
      tpu.vector_store %arg7[%swap3A_134, %swap3A_135], %broadcast_in_dim3A_5 {strides = array<i32>} : memref<35x640xf32, #tpu.memory_space<vmem>>, vector<16xf32>,
    }
    %scan3A_10 = arith.constant 35 : i32
    %iota3A = tpu.iota {dimensions = array<i32: 0>} : vector<16xi32>
    %scan3A_11 = arith.constant 0 : i32
    %scan3A_12 = arith.constant 0 : i32
    %scan3A_13 = arith.constant 2 : i32
    %scan3A_14 = arith.addi %scan3A_12, %scan3A_13 : i32
    %scan3A_15 = arith.constant 1 : i32
    scf.for %scan3A_17 = %scan3A_12 to %scan3A_14 step %scan3A_15  : i32 {
      %mul3A_18 = arith.constant 64 : i32
      %mul3A_19 = arith.muli %scan3A_17, %mul3A_18 : i32
      %add3A_20 = arith.addi %add3A_4, %mul3A_19 : i32
      "tpu.region"() ({
        %run_scoped3A = tpu.sem_alloc : memref<!tpu.dma_semaphore, #tpu.memory_space<semaphore_mem>>
        %dma_start3A = arith.constant 0 : i32
        %dma_start3A_27 = tpu.memref_slice %arg2[%add3A_20, %dma_start3A] : memref<16384x512xf32, #tpu.memory_space<hbm>> -> memref<64x512xf32, #tpu.memory_space<hbm>>
        %dma_start3A_28 = arith.constant 0 : i32
        %dma_start3A_29 = tpu.memref_slice %arg2[%add3A_20, %dma_start3A_28] : memref<16384x512xf32, #tpu.memory_space<hbm>> -> memref<64x512xf32, #tpu.memory_space<hbm>>
        tpu.enqueue_dma source(%dma_start3A_29 : memref<64x512xf32, #tpu.memory_space<hbm>>) target(%arg5 : memref<64x512xf32, #tpu.memory_space<vmem>>) target_semaphore(%run_scoped3A : memref<!tpu.dma_semaphore, #tpu.memory_space<semaphore_mem>>)
        %dma_wait3A = arith.constant 0 : i32
        %dma_wait3A_30 = tpu.memref_slice %arg2[%add3A_20, %dma_wait3A] : memref<16384x512xf32, #tpu.memory_space<hbm>> -> memref<64x512xf32, #tpu.memory_space<hbm>>
        %dma_wait3A_31 = arith.constant 0 : i32
        %dma_wait3A_32 = tpu.memref_slice %arg2[%add3A_20, %dma_wait3A_31] : memref<16384x512xf32, #tpu.memory_space<hbm>> -> memref<64x512xf32, #tpu.memory_space<hbm>>
        tpu.wait_dma2 semaphore(%run_scoped3A : memref<!tpu.dma_semaphore, #tpu.memory_space<semaphore_mem>>) src(%dma_wait3A_32 : memref<64x512xf32, #tpu.memory_space<hbm>>) dst(%arg5 : memref<64x512xf32, #tpu.memory_space<vmem>>)
        tpu.yield
      }) : () -> ()
      %scan3A_21 = arith.constant 0 : i32
      %scan3A_22 = arith.constant 0 : i32
      %scan3A_23 = arith.constant 64 : i32
      %scan3A_24 = arith.addi %scan3A_22, %scan3A_23 : i32
      %scan3A_25 = arith.constant 2 : i32
      scf.for %scan3A_27 = %scan3A_22 to %scan3A_24 step %scan3A_25  : i32 {
        %get3A = arith.index_cast %scan3A_27 : i32 to index
        %get3A_28 = arith.constant 0 : index
        %get3A_29 = tpu.vector_load %arg5[%get3A, %get3A_28] {strides = array<i32>} : memref<64x512xf32, #tpu.memory_space<vmem>>, vector<16xf32>,
        %get3A_30 = arith.index_cast %scan3A_27 : i32 to index
        %get3A_31 = arith.constant 16 : index
        %get3A_32 = tpu.vector_load %arg5[%get3A_30, %get3A_31] {strides = array<i32>} : memref<64x512xf32, #tpu.memory_space<vmem>>, vector<16xf32>,
        %get3A_33 = arith.index_cast %scan3A_27 : i32 to index
        %get3A_34 = arith.constant 32 : index
        %get3A_35 = tpu.vector_load %arg5[%get3A_33, %get3A_34] {strides = array<i32>} : memref<64x512xf32, #tpu.memory_space<vmem>>, vector<16xf32>,
        %get3A_36 = arith.index_cast %scan3A_27 : i32 to index
        %get3A_37 = arith.constant 48 : index
        %get3A_38 = tpu.vector_load %arg5[%get3A_36, %get3A_37] {strides = array<i32>} : memref<64x512xf32, #tpu.memory_space<vmem>>, vector<16xf32>,
        %mul3A_39 = arith.mulf %get3A_29, %get3A_29 : vector<16xf32>
        %add3A_40 = arith.addf %broadcast_in_dim3A_5, %mul3A_39 : vector<16xf32>
        %mul3A_41 = arith.mulf %get3A_32, %get3A_32 : vector<16xf32>
        %add3A_42 = arith.addf %broadcast_in_dim3A_5, %mul3A_41 : vector<16xf32>
        %mul3A_43 = arith.mulf %get3A_35, %get3A_35 : vector<16xf32>
        %add3A_44 = arith.addf %broadcast_in_dim3A_5, %mul3A_43 : vector<16xf32>
        %mul3A_45 = arith.mulf %get3A_38, %get3A_38 : vector<16xf32>
        %add3A_46 = arith.addf %broadcast_in_dim3A_5, %mul3A_45 : vector<16xf32>
        %get3A_47 = arith.index_cast %scan3A_27 : i32 to index
        %get3A_48 = arith.constant 64 : index
        %get3A_49 = tpu.vector_load %arg5[%get3A_47, %get3A_48] {strides = array<i32>} : memref<64x512xf32, #tpu.memory_space<vmem>>, vector<16xf32>,
        %get3A_50 = arith.index_cast %scan3A_27 : i32 to index
        %get3A_51 = arith.constant 80 : index
        %get3A_52 = tpu.vector_load %arg5[%get3A_50, %get3A_51] {strides = array<i32>} : memref<64x512xf32, #tpu.memory_space<vmem>>, vector<16xf32>,
        %get3A_53 = arith.index_cast %scan3A_27 : i32 to index
        %get3A_54 = arith.constant 96 : index
        %get3A_55 = tpu.vector_load %arg5[%get3A_53, %get3A_54] {strides = array<i32>} : memref<64x512xf32, #tpu.memory_space<vmem>>, vector<16xf32>,
        %get3A_56 = arith.index_cast %scan3A_27 : i32 to index
        %get3A_57 = arith.constant 112 : index
        %get3A_58 = tpu.vector_load %arg5[%get3A_56, %get3A_57] {strides = array<i32>} : memref<64x512xf32, #tpu.memory_space<vmem>>, vector<16xf32>,
        %mul3A_59 = arith.mulf %get3A_49, %get3A_49 : vector<16xf32>
        %add3A_60 = arith.addf %add3A_40, %mul3A_59 : vector<16xf32>
        %mul3A_61 = arith.mulf %get3A_52, %get3A_52 : vector<16xf32>
        %add3A_62 = arith.addf %add3A_42, %mul3A_61 : vector<16xf32>
        %mul3A_63 = arith.mulf %get3A_55, %get3A_55 : vector<16xf32>
        %add3A_64 = arith.addf %add3A_44, %mul3A_63 : vector<16xf32>
        %mul3A_65 = arith.mulf %get3A_58, %get3A_58 : vector<16xf32>
        %add3A_66 = arith.addf %add3A_46, %mul3A_65 : vector<16xf32>
        %get3A_67 = arith.index_cast %scan3A_27 : i32 to index
        %get3A_68 = arith.constant 128 : index
        %get3A_69 = tpu.vector_load %arg5[%get3A_67, %get3A_68] {strides = array<i32>} : memref<64x512xf32, #tpu.memory_space<vmem>>, vector<16xf32>,
        %get3A_70 = arith.index_cast %scan3A_27 : i32 to index
        %get3A_71 = arith.constant 144 : index
        %get3A_72 = tpu.vector_load %arg5[%get3A_70, %get3A_71] {strides = array<i32>} : memref<64x512xf32, #tpu.memory_space<vmem>>, vector<16xf32>,
        %get3A_73 = arith.index_cast %scan3A_27 : i32 to index
        %get3A_74 = arith.constant 160 : index
        %get3A_75 = tpu.vector_load %arg5[%get3A_73, %get3A_74] {strides = array<i32>} : memref<64x512xf32, #tpu.memory_space<vmem>>, vector<16xf32>,
        %get3A_76 = arith.index_cast %scan3A_27 : i32 to index
        %get3A_77 = arith.constant 176 : index
        %get3A_78 = tpu.vector_load %arg5[%get3A_76, %get3A_77] {strides = array<i32>} : memref<64x512xf32, #tpu.memory_space<vmem>>, vector<16xf32>,
        %mul3A_79 = arith.mulf %get3A_69, %get3A_69 : vector<16xf32>
        %add3A_80 = arith.addf %add3A_60, %mul3A_79 : vector<16xf32>
        %mul3A_81 = arith.mulf %get3A_72, %get3A_72 : vector<16xf32>
        %add3A_82 = arith.addf %add3A_62, %mul3A_81 : vector<16xf32>
        %mul3A_83 = arith.mulf %get3A_75, %get3A_75 : vector<16xf32>
        %add3A_84 = arith.addf %add3A_64, %mul3A_83 : vector<16xf32>
        %mul3A_85 = arith.mulf %get3A_78, %get3A_78 : vector<16xf32>
        %add3A_86 = arith.addf %add3A_66, %mul3A_85 : vector<16xf32>
        %get3A_87 = arith.index_cast %scan3A_27 : i32 to index
        %get3A_88 = arith.constant 192 : index
        %get3A_89 = tpu.vector_load %arg5[%get3A_87, %get3A_88] {strides = array<i32>} : memref<64x512xf32, #tpu.memory_space<vmem>>, vector<16xf32>,
        %get3A_90 = arith.index_cast %scan3A_27 : i32 to index
        %get3A_91 = arith.constant 208 : index
        %get3A_92 = tpu.vector_load %arg5[%get3A_90, %get3A_91] {strides = array<i32>} : memref<64x512xf32, #tpu.memory_space<vmem>>, vector<16xf32>,
        %get3A_93 = arith.index_cast %scan3A_27 : i32 to index
        %get3A_94 = arith.constant 224 : index
        %get3A_95 = tpu.vector_load %arg5[%get3A_93, %get3A_94] {strides = array<i32>} : memref<64x512xf32, #tpu.memory_space<vmem>>, vector<16xf32>,
        %get3A_96 = arith.index_cast %scan3A_27 : i32 to index
        %get3A_97 = arith.constant 240 : index
        %get3A_98 = tpu.vector_load %arg5[%get3A_96, %get3A_97] {strides = array<i32>} : memref<64x512xf32, #tpu.memory_space<vmem>>, vector<16xf32>,
        %mul3A_99 = arith.mulf %get3A_89, %get3A_89 : vector<16xf32>
        %add3A_100 = arith.addf %add3A_80, %mul3A_99 : vector<16xf32>
        %mul3A_101 = arith.mulf %get3A_92, %get3A_92 : vector<16xf32>
        %add3A_102 = arith.addf %add3A_82, %mul3A_101 : vector<16xf32>
        %mul3A_103 = arith.mulf %get3A_95, %get3A_95 : vector<16xf32>
        %add3A_104 = arith.addf %add3A_84, %mul3A_103 : vector<16xf32>
        %mul3A_105 = arith.mulf %get3A_98, %get3A_98 : vector<16xf32>
        %add3A_106 = arith.addf %add3A_86, %mul3A_105 : vector<16xf32>
        %get3A_107 = arith.index_cast %scan3A_27 : i32 to index
        %get3A_108 = arith.constant 256 : index
        %get3A_109 = tpu.vector_load %arg5[%get3A_107, %get3A_108] {strides = array<i32>} : memref<64x512xf32, #tpu.memory_space<vmem>>, vector<16xf32>,
        %get3A_110 = arith.index_cast %scan3A_27 : i32 to index
        %get3A_111 = arith.constant 272 : index
        %get3A_112 = tpu.vector_load %arg5[%get3A_110, %get3A_111] {strides = array<i32>} : memref<64x512xf32, #tpu.memory_space<vmem>>, vector<16xf32>,
        %get3A_113 = arith.index_cast %scan3A_27 : i32 to index
        %get3A_114 = arith.constant 288 : index
        %get3A_115 = tpu.vector_load %arg5[%get3A_113, %get3A_114] {strides = array<i32>} : memref<64x512xf32, #tpu.memory_space<vmem>>, vector<16xf32>,
        %get3A_116 = arith.index_cast %scan3A_27 : i32 to index
        %get3A_117 = arith.constant 304 : index
        %get3A_118 = tpu.vector_load %arg5[%get3A_116, %get3A_117] {strides = array<i32>} : memref<64x512xf32, #tpu.memory_space<vmem>>, vector<16xf32>,
        %mul3A_119 = arith.mulf %get3A_109, %get3A_109 : vector<16xf32>
        %add3A_120 = arith.addf %add3A_100, %mul3A_119 : vector<16xf32>
        %mul3A_121 = arith.mulf %get3A_112, %get3A_112 : vector<16xf32>
        %add3A_122 = arith.addf %add3A_102, %mul3A_121 : vector<16xf32>
        %mul3A_123 = arith.mulf %get3A_115, %get3A_115 : vector<16xf32>
        %add3A_124 = arith.addf %add3A_104, %mul3A_123 : vector<16xf32>
        %mul3A_125 = arith.mulf %get3A_118, %get3A_118 : vector<16xf32>
        %add3A_126 = arith.addf %add3A_106, %mul3A_125 : vector<16xf32>
        %get3A_127 = arith.index_cast %scan3A_27 : i32 to index
        %get3A_128 = arith.constant 320 : index
        %get3A_129 = tpu.vector_load %arg5[%get3A_127, %get3A_128] {strides = array<i32>} : memref<64x512xf32, #tpu.memory_space<vmem>>, vector<16xf32>,
        %get3A_130 = arith.index_cast %scan3A_27 : i32 to index
        %get3A_131 = arith.constant 336 : index
        %get3A_132 = tpu.vector_load %arg5[%get3A_130, %get3A_131] {strides = array<i32>} : memref<64x512xf32, #tpu.memory_space<vmem>>, vector<16xf32>,
        %get3A_133 = arith.index_cast %scan3A_27 : i32 to index
        %get3A_134 = arith.constant 352 : index
        %get3A_135 = tpu.vector_load %arg5[%get3A_133, %get3A_134] {strides = array<i32>} : memref<64x512xf32, #tpu.memory_space<vmem>>, vector<16xf32>,
        %get3A_136 = arith.index_cast %scan3A_27 : i32 to index
        %get3A_137 = arith.constant 368 : index
        %get3A_138 = tpu.vector_load %arg5[%get3A_136, %get3A_137] {strides = array<i32>} : memref<64x512xf32, #tpu.memory_space<vmem>>, vector<16xf32>,
        %mul3A_139 = arith.mulf %get3A_129, %get3A_129 : vector<16xf32>
        %add3A_140 = arith.addf %add3A_120, %mul3A_139 : vector<16xf32>
        %mul3A_141 = arith.mulf %get3A_132, %get3A_132 : vector<16xf32>
        %add3A_142 = arith.addf %add3A_122, %mul3A_141 : vector<16xf32>
        %mul3A_143 = arith.mulf %get3A_135, %get3A_135 : vector<16xf32>
        %add3A_144 = arith.addf %add3A_124, %mul3A_143 : vector<16xf32>
        %mul3A_145 = arith.mulf %get3A_138, %get3A_138 : vector<16xf32>
        %add3A_146 = arith.addf %add3A_126, %mul3A_145 : vector<16xf32>
        %get3A_147 = arith.index_cast %scan3A_27 : i32 to index
        %get3A_148 = arith.constant 384 : index
        %get3A_149 = tpu.vector_load %arg5[%get3A_147, %get3A_148] {strides = array<i32>} : memref<64x512xf32, #tpu.memory_space<vmem>>, vector<16xf32>,
        %get3A_150 = arith.index_cast %scan3A_27 : i32 to index
        %get3A_151 = arith.constant 400 : index
        %get3A_152 = tpu.vector_load %arg5[%get3A_150, %get3A_151] {strides = array<i32>} : memref<64x512xf32, #tpu.memory_space<vmem>>, vector<16xf32>,
        %get3A_153 = arith.index_cast %scan3A_27 : i32 to index
        %get3A_154 = arith.constant 416 : index
        %get3A_155 = tpu.vector_load %arg5[%get3A_153, %get3A_154] {strides = array<i32>} : memref<64x512xf32, #tpu.memory_space<vmem>>, vector<16xf32>,
        %get3A_156 = arith.index_cast %scan3A_27 : i32 to index
        %get3A_157 = arith.constant 432 : index
        %get3A_158 = tpu.vector_load %arg5[%get3A_156, %get3A_157] {strides = array<i32>} : memref<64x512xf32, #tpu.memory_space<vmem>>, vector<16xf32>,
        %mul3A_159 = arith.mulf %get3A_149, %get3A_149 : vector<16xf32>
        %add3A_160 = arith.addf %add3A_140, %mul3A_159 : vector<16xf32>
        %mul3A_161 = arith.mulf %get3A_152, %get3A_152 : vector<16xf32>
        %add3A_162 = arith.addf %add3A_142, %mul3A_161 : vector<16xf32>
        %mul3A_163 = arith.mulf %get3A_155, %get3A_155 : vector<16xf32>
        %add3A_164 = arith.addf %add3A_144, %mul3A_163 : vector<16xf32>
        %mul3A_165 = arith.mulf %get3A_158, %get3A_158 : vector<16xf32>
        %add3A_166 = arith.addf %add3A_146, %mul3A_165 : vector<16xf32>
        %get3A_167 = arith.index_cast %scan3A_27 : i32 to index
        %get3A_168 = arith.constant 448 : index
        %get3A_169 = tpu.vector_load %arg5[%get3A_167, %get3A_168] {strides = array<i32>} : memref<64x512xf32, #tpu.memory_space<vmem>>, vector<16xf32>,
        %get3A_170 = arith.index_cast %scan3A_27 : i32 to index
        %get3A_171 = arith.constant 464 : index
        %get3A_172 = tpu.vector_load %arg5[%get3A_170, %get3A_171] {strides = array<i32>} : memref<64x512xf32, #tpu.memory_space<vmem>>, vector<16xf32>,
        %get3A_173 = arith.index_cast %scan3A_27 : i32 to index
        %get3A_174 = arith.constant 480 : index
        %get3A_175 = tpu.vector_load %arg5[%get3A_173, %get3A_174] {strides = array<i32>} : memref<64x512xf32, #tpu.memory_space<vmem>>, vector<16xf32>,
        %get3A_176 = arith.index_cast %scan3A_27 : i32 to index
        %get3A_177 = arith.constant 496 : index
        %get3A_178 = tpu.vector_load %arg5[%get3A_176, %get3A_177] {strides = array<i32>} : memref<64x512xf32, #tpu.memory_space<vmem>>, vector<16xf32>,
        %mul3A_179 = arith.mulf %get3A_169, %get3A_169 : vector<16xf32>
        %add3A_180 = arith.addf %add3A_160, %mul3A_179 : vector<16xf32>
        %mul3A_181 = arith.mulf %get3A_172, %get3A_172 : vector<16xf32>
        %add3A_182 = arith.addf %add3A_162, %mul3A_181 : vector<16xf32>
        %mul3A_183 = arith.mulf %get3A_175, %get3A_175 : vector<16xf32>
        %add3A_184 = arith.addf %add3A_164, %mul3A_183 : vector<16xf32>
        %mul3A_185 = arith.mulf %get3A_178, %get3A_178 : vector<16xf32>
        %add3A_186 = arith.addf %add3A_166, %mul3A_185 : vector<16xf32>
        %add3A_187 = arith.addf %add3A_180, %add3A_182 : vector<16xf32>
        %add3A_188 = arith.addf %add3A_184, %add3A_186 : vector<16xf32>
        %add3A_189 = arith.addf %add3A_187, %add3A_188 : vector<16xf32>
        %reduce_sum3A = arith.constant true
        %reduce_sum3A_190 = vector.broadcast %reduce_sum3A : i1 to vector<16xi1>
        %reduce_sum3A_191 = tpu.scan <sum>, %add3A_189 masked %reduce_sum3A_190 : vector<16xf32>, vector<16xi1> -> vector<16xf32>
        %reduce_sum3A_192 = vector.extract %reduce_sum3A_191[15] : f32 from vector<16xf32>
        %broadcast_in_dim3A_193 = vector.broadcast %reduce_sum3A_192 : f32 to vector<16xf32>
        %bitcast3A = vector.bitcast %broadcast_in_dim3A_193 : vector<16xf32> to vector<16xi32>
        %shift_right_arithmetic3A = arith.constant 1 : i32
        %shift_right_arithmetic3A_194 = vector.broadcast %shift_right_arithmetic3A : i32 to vector<16xi32>
        %shift_right_arithmetic3A_195 = arith.shrsi %bitcast3A, %shift_right_arithmetic3A_194 : vector<16xi32>
        %sub3A = arith.constant 1597463007 : i32
        %sub3A_196 = vector.broadcast %sub3A : i32 to vector<16xi32>
        %sub3A_197 = arith.subi %sub3A_196, %shift_right_arithmetic3A_195 : vector<16xi32>
        %bitcast3A_198 = vector.bitcast %sub3A_197 : vector<16xi32> to vector<16xf32>
        %mul3A_199 = arith.constant 5.000000e-01 : f32
        %mul3A_200 = vector.broadcast %mul3A_199 : f32 to vector<16xf32>
        %mul3A_201 = arith.mulf %mul3A_200, %broadcast_in_dim3A_193 : vector<16xf32>
        %mul3A_202 = arith.mulf %mul3A_201, %bitcast3A_198 : vector<16xf32>
        %mul3A_203 = arith.mulf %mul3A_202, %bitcast3A_198 : vector<16xf32>
        %sub3A_204 = arith.constant 1.500000e+00 : f32
        %sub3A_205 = vector.broadcast %sub3A_204 : f32 to vector<16xf32>
        %sub3A_206 = arith.subf %sub3A_205, %mul3A_203 : vector<16xf32>
        %mul3A_207 = arith.mulf %bitcast3A_198, %sub3A_206 : vector<16xf32>
        %mul3A_208 = arith.constant 5.000000e-01 : f32
        %mul3A_209 = vector.broadcast %mul3A_208 : f32 to vector<16xf32>
        %mul3A_210 = arith.mulf %mul3A_209, %broadcast_in_dim3A_193 : vector<16xf32>
        %mul3A_211 = arith.mulf %mul3A_210, %mul3A_207 : vector<16xf32>
        %mul3A_212 = arith.mulf %mul3A_211, %mul3A_207 : vector<16xf32>
        %sub3A_213 = arith.constant 1.500000e+00 : f32
        %sub3A_214 = vector.broadcast %sub3A_213 : f32 to vector<16xf32>
        %sub3A_215 = arith.subf %sub3A_214, %mul3A_212 : vector<16xf32>
        %mul3A_216 = arith.mulf %mul3A_207, %sub3A_215 : vector<16xf32>
        %mul3A_217 = arith.constant 5.000000e-01 : f32
        %mul3A_218 = vector.broadcast %mul3A_217 : f32 to vector<16xf32>
        %mul3A_219 = arith.mulf %mul3A_218, %broadcast_in_dim3A_193 : vector<16xf32>
        %mul3A_220 = arith.mulf %mul3A_219, %mul3A_216 : vector<16xf32>
        %mul3A_221 = arith.mulf %mul3A_220, %mul3A_216 : vector<16xf32>
        %sub3A_222 = arith.constant 1.500000e+00 : f32
        %sub3A_223 = vector.broadcast %sub3A_222 : f32 to vector<16xf32>
        %sub3A_224 = arith.subf %sub3A_223, %mul3A_221 : vector<16xf32>
        %mul3A_225 = arith.mulf %mul3A_216, %sub3A_224 : vector<16xf32>
        %lt3A = arith.constant 1.000000e-24 : f32
        %lt3A_226 = vector.broadcast %lt3A : f32 to vector<16xf32>
        %lt3A_227 = arith.cmpf olt, %broadcast_in_dim3A_193, %lt3A_226 : vector<16xf32>
        %jit3A = arith.constant 9.99999995E+11 : f32
        %broadcast_in_dim3A_228 = vector.broadcast %jit3A : f32 to vector<16xf32>
        %select_n3A = arith.select %lt3A_227, %broadcast_in_dim3A_228, %mul3A_225 : vector<16xi1>, vector<16xf32>
        %mul3A_229 = arith.constant 64 : i32
        %mul3A_230 = arith.muli %scan3A_17, %mul3A_229 : i32
        %add3A_231 = arith.addi %mul3A_230, %scan3A_27 : i32
        %get3A_232 = arith.index_cast %add3A_231 : i32 to index
        %get3A_233 = tpu.vector_load %arg6[%get3A_232] {strides = array<i32>} : memref<144xi32, #tpu.memory_space<vmem>>, vector<16xi32>,
        %slice3A = vector.extract_strided_slice %get3A_233 {offsets = [0], sizes = [1], strides = [1]} : vector<16xi32> to vector<1xi32>
        %squeeze3A = vector.extract %slice3A[0] : i32 from vector<1xi32>
        %get3A_234 = arith.index_cast %scan3A_27 : i32 to index
        %get3A_235 = arith.constant 0 : index
        %get3A_236 = tpu.vector_load %arg5[%get3A_234, %get3A_235] {strides = array<i32>} : memref<64x512xf32, #tpu.memory_space<vmem>>, vector<16xf32>,
        %mul3A_237 = arith.mulf %get3A_236, %select_n3A : vector<16xf32>
        %swap3A = arith.index_cast %squeeze3A : i32 to index
        %swap3A_238 = arith.constant 0 : index
        %swap3A_239 = tpu.vector_load %arg7[%swap3A, %swap3A_238] {strides = array<i32>} : memref<35x640xf32, #tpu.memory_space<vmem>>, vector<16xf32>,
        tpu.vector_store %arg7[%swap3A, %swap3A_238], %mul3A_237 {add = true, strides = array<i32>} : memref<35x640xf32, #tpu.memory_space<vmem>>, vector<16xf32>,
        %get3A_240 = arith.index_cast %scan3A_27 : i32 to index
        %get3A_241 = arith.constant 16 : index
        %get3A_242 = tpu.vector_load %arg5[%get3A_240, %get3A_241] {strides = array<i32>} : memref<64x512xf32, #tpu.memory_space<vmem>>, vector<16xf32>,
        %mul3A_243 = arith.mulf %get3A_242, %select_n3A : vector<16xf32>
        %swap3A_244 = arith.index_cast %squeeze3A : i32 to index
        %swap3A_245 = arith.constant 16 : index
        %swap3A_246 = tpu.vector_load %arg7[%swap3A_244, %swap3A_245] {strides = array<i32>} : memref<35x640xf32, #tpu.memory_space<vmem>>, vector<16xf32>,
        tpu.vector_store %arg7[%swap3A_244, %swap3A_245], %mul3A_243 {add = true, strides = array<i32>} : memref<35x640xf32, #tpu.memory_space<vmem>>, vector<16xf32>,
        %get3A_247 = arith.index_cast %scan3A_27 : i32 to index
        %get3A_248 = arith.constant 32 : index
        %get3A_249 = tpu.vector_load %arg5[%get3A_247, %get3A_248] {strides = array<i32>} : memref<64x512xf32, #tpu.memory_space<vmem>>, vector<16xf32>,
        %mul3A_250 = arith.mulf %get3A_249, %select_n3A : vector<16xf32>
        %swap3A_251 = arith.index_cast %squeeze3A : i32 to index
        %swap3A_252 = arith.constant 32 : index
        %swap3A_253 = tpu.vector_load %arg7[%swap3A_251, %swap3A_252] {strides = array<i32>} : memref<35x640xf32, #tpu.memory_space<vmem>>, vector<16xf32>,
        tpu.vector_store %arg7[%swap3A_251, %swap3A_252], %mul3A_250 {add = true, strides = array<i32>} : memref<35x640xf32, #tpu.memory_space<vmem>>, vector<16xf32>,
        %get3A_254 = arith.index_cast %scan3A_27 : i32 to index
        %get3A_255 = arith.constant 48 : index
        %get3A_256 = tpu.vector_load %arg5[%get3A_254, %get3A_255] {strides = array<i32>} : memref<64x512xf32, #tpu.memory_space<vmem>>, vector<16xf32>,
        %mul3A_257 = arith.mulf %get3A_256, %select_n3A : vector<16xf32>
        %swap3A_258 = arith.index_cast %squeeze3A : i32 to index
        %swap3A_259 = arith.constant 48 : index
        %swap3A_260 = tpu.vector_load %arg7[%swap3A_258, %swap3A_259] {strides = array<i32>} : memref<35x640xf32, #tpu.memory_space<vmem>>, vector<16xf32>,
        tpu.vector_store %arg7[%swap3A_258, %swap3A_259], %mul3A_257 {add = true, strides = array<i32>} : memref<35x640xf32, #tpu.memory_space<vmem>>, vector<16xf32>,
        %get3A_261 = arith.index_cast %scan3A_27 : i32 to index
        %get3A_262 = arith.constant 64 : index
        %get3A_263 = tpu.vector_load %arg5[%get3A_261, %get3A_262] {strides = array<i32>} : memref<64x512xf32, #tpu.memory_space<vmem>>, vector<16xf32>,
        %mul3A_264 = arith.mulf %get3A_263, %select_n3A : vector<16xf32>
        %swap3A_265 = arith.index_cast %squeeze3A : i32 to index
        %swap3A_266 = arith.constant 64 : index
        %swap3A_267 = tpu.vector_load %arg7[%swap3A_265, %swap3A_266] {strides = array<i32>} : memref<35x640xf32, #tpu.memory_space<vmem>>, vector<16xf32>,
        tpu.vector_store %arg7[%swap3A_265, %swap3A_266], %mul3A_264 {add = true, strides = array<i32>} : memref<35x640xf32, #tpu.memory_space<vmem>>, vector<16xf32>,
        %get3A_268 = arith.index_cast %scan3A_27 : i32 to index
        %get3A_269 = arith.constant 80 : index
        %get3A_270 = tpu.vector_load %arg5[%get3A_268, %get3A_269] {strides = array<i32>} : memref<64x512xf32, #tpu.memory_space<vmem>>, vector<16xf32>,
        %mul3A_271 = arith.mulf %get3A_270, %select_n3A : vector<16xf32>
        %swap3A_272 = arith.index_cast %squeeze3A : i32 to index
        %swap3A_273 = arith.constant 80 : index
        %swap3A_274 = tpu.vector_load %arg7[%swap3A_272, %swap3A_273] {strides = array<i32>} : memref<35x640xf32, #tpu.memory_space<vmem>>, vector<16xf32>,
        tpu.vector_store %arg7[%swap3A_272, %swap3A_273], %mul3A_271 {add = true, strides = array<i32>} : memref<35x640xf32, #tpu.memory_space<vmem>>, vector<16xf32>,
        %get3A_275 = arith.index_cast %scan3A_27 : i32 to index
        %get3A_276 = arith.constant 96 : index
        %get3A_277 = tpu.vector_load %arg5[%get3A_275, %get3A_276] {strides = array<i32>} : memref<64x512xf32, #tpu.memory_space<vmem>>, vector<16xf32>,
        %mul3A_278 = arith.mulf %get3A_277, %select_n3A : vector<16xf32>
        %swap3A_279 = arith.index_cast %squeeze3A : i32 to index
        %swap3A_280 = arith.constant 96 : index
        %swap3A_281 = tpu.vector_load %arg7[%swap3A_279, %swap3A_280] {strides = array<i32>} : memref<35x640xf32, #tpu.memory_space<vmem>>, vector<16xf32>,
        tpu.vector_store %arg7[%swap3A_279, %swap3A_280], %mul3A_278 {add = true, strides = array<i32>} : memref<35x640xf32, #tpu.memory_space<vmem>>, vector<16xf32>,
        %get3A_282 = arith.index_cast %scan3A_27 : i32 to index
        %get3A_283 = arith.constant 112 : index
        %get3A_284 = tpu.vector_load %arg5[%get3A_282, %get3A_283] {strides = array<i32>} : memref<64x512xf32, #tpu.memory_space<vmem>>, vector<16xf32>,
        %mul3A_285 = arith.mulf %get3A_284, %select_n3A : vector<16xf32>
        %swap3A_286 = arith.index_cast %squeeze3A : i32 to index
        %swap3A_287 = arith.constant 112 : index
        %swap3A_288 = tpu.vector_load %arg7[%swap3A_286, %swap3A_287] {strides = array<i32>} : memref<35x640xf32, #tpu.memory_space<vmem>>, vector<16xf32>,
        tpu.vector_store %arg7[%swap3A_286, %swap3A_287], %mul3A_285 {add = true, strides = array<i32>} : memref<35x640xf32, #tpu.memory_space<vmem>>, vector<16xf32>,
        %get3A_289 = arith.index_cast %scan3A_27 : i32 to index
        %get3A_290 = arith.constant 128 : index
        %get3A_291 = tpu.vector_load %arg5[%get3A_289, %get3A_290] {strides = array<i32>} : memref<64x512xf32, #tpu.memory_space<vmem>>, vector<16xf32>,
        %mul3A_292 = arith.mulf %get3A_291, %select_n3A : vector<16xf32>
        %swap3A_293 = arith.index_cast %squeeze3A : i32 to index
        %swap3A_294 = arith.constant 128 : index
        %swap3A_295 = tpu.vector_load %arg7[%swap3A_293, %swap3A_294] {strides = array<i32>} : memref<35x640xf32, #tpu.memory_space<vmem>>, vector<16xf32>,
        tpu.vector_store %arg7[%swap3A_293, %swap3A_294], %mul3A_292 {add = true, strides = array<i32>} : memref<35x640xf32, #tpu.memory_space<vmem>>, vector<16xf32>,
        %get3A_296 = arith.index_cast %scan3A_27 : i32 to index
        %get3A_297 = arith.constant 144 : index
        %get3A_298 = tpu.vector_load %arg5[%get3A_296, %get3A_297] {strides = array<i32>} : memref<64x512xf32, #tpu.memory_space<vmem>>, vector<16xf32>,
        %mul3A_299 = arith.mulf %get3A_298, %select_n3A : vector<16xf32>
        %swap3A_300 = arith.index_cast %squeeze3A : i32 to index
        %swap3A_301 = arith.constant 144 : index
        %swap3A_302 = tpu.vector_load %arg7[%swap3A_300, %swap3A_301] {strides = array<i32>} : memref<35x640xf32, #tpu.memory_space<vmem>>, vector<16xf32>,
        tpu.vector_store %arg7[%swap3A_300, %swap3A_301], %mul3A_299 {add = true, strides = array<i32>} : memref<35x640xf32, #tpu.memory_space<vmem>>, vector<16xf32>,
        %get3A_303 = arith.index_cast %scan3A_27 : i32 to index
        %get3A_304 = arith.constant 160 : index
        %get3A_305 = tpu.vector_load %arg5[%get3A_303, %get3A_304] {strides = array<i32>} : memref<64x512xf32, #tpu.memory_space<vmem>>, vector<16xf32>,
        %mul3A_306 = arith.mulf %get3A_305, %select_n3A : vector<16xf32>
        %swap3A_307 = arith.index_cast %squeeze3A : i32 to index
        %swap3A_308 = arith.constant 160 : index
        %swap3A_309 = tpu.vector_load %arg7[%swap3A_307, %swap3A_308] {strides = array<i32>} : memref<35x640xf32, #tpu.memory_space<vmem>>, vector<16xf32>,
        tpu.vector_store %arg7[%swap3A_307, %swap3A_308], %mul3A_306 {add = true, strides = array<i32>} : memref<35x640xf32, #tpu.memory_space<vmem>>, vector<16xf32>,
        %get3A_310 = arith.index_cast %scan3A_27 : i32 to index
        %get3A_311 = arith.constant 176 : index
        %get3A_312 = tpu.vector_load %arg5[%get3A_310, %get3A_311] {strides = array<i32>} : memref<64x512xf32, #tpu.memory_space<vmem>>, vector<16xf32>,
        %mul3A_313 = arith.mulf %get3A_312, %select_n3A : vector<16xf32>
        %swap3A_314 = arith.index_cast %squeeze3A : i32 to index
        %swap3A_315 = arith.constant 176 : index
        %swap3A_316 = tpu.vector_load %arg7[%swap3A_314, %swap3A_315] {strides = array<i32>} : memref<35x640xf32, #tpu.memory_space<vmem>>, vector<16xf32>,
        tpu.vector_store %arg7[%swap3A_314, %swap3A_315], %mul3A_313 {add = true, strides = array<i32>} : memref<35x640xf32, #tpu.memory_space<vmem>>, vector<16xf32>,
        %get3A_317 = arith.index_cast %scan3A_27 : i32 to index
        %get3A_318 = arith.constant 192 : index
        %get3A_319 = tpu.vector_load %arg5[%get3A_317, %get3A_318] {strides = array<i32>} : memref<64x512xf32, #tpu.memory_space<vmem>>, vector<16xf32>,
        %mul3A_320 = arith.mulf %get3A_319, %select_n3A : vector<16xf32>
        %swap3A_321 = arith.index_cast %squeeze3A : i32 to index
        %swap3A_322 = arith.constant 192 : index
        %swap3A_323 = tpu.vector_load %arg7[%swap3A_321, %swap3A_322] {strides = array<i32>} : memref<35x640xf32, #tpu.memory_space<vmem>>, vector<16xf32>,
        tpu.vector_store %arg7[%swap3A_321, %swap3A_322], %mul3A_320 {add = true, strides = array<i32>} : memref<35x640xf32, #tpu.memory_space<vmem>>, vector<16xf32>,
        %get3A_324 = arith.index_cast %scan3A_27 : i32 to index
        %get3A_325 = arith.constant 208 : index
        %get3A_326 = tpu.vector_load %arg5[%get3A_324, %get3A_325] {strides = array<i32>} : memref<64x512xf32, #tpu.memory_space<vmem>>, vector<16xf32>,
        %mul3A_327 = arith.mulf %get3A_326, %select_n3A : vector<16xf32>
        %swap3A_328 = arith.index_cast %squeeze3A : i32 to index
        %swap3A_329 = arith.constant 208 : index
        %swap3A_330 = tpu.vector_load %arg7[%swap3A_328, %swap3A_329] {strides = array<i32>} : memref<35x640xf32, #tpu.memory_space<vmem>>, vector<16xf32>,
        tpu.vector_store %arg7[%swap3A_328, %swap3A_329], %mul3A_327 {add = true, strides = array<i32>} : memref<35x640xf32, #tpu.memory_space<vmem>>, vector<16xf32>,
        %get3A_331 = arith.index_cast %scan3A_27 : i32 to index
        %get3A_332 = arith.constant 224 : index
        %get3A_333 = tpu.vector_load %arg5[%get3A_331, %get3A_332] {strides = array<i32>} : memref<64x512xf32, #tpu.memory_space<vmem>>, vector<16xf32>,
        %mul3A_334 = arith.mulf %get3A_333, %select_n3A : vector<16xf32>
        %swap3A_335 = arith.index_cast %squeeze3A : i32 to index
        %swap3A_336 = arith.constant 224 : index
        %swap3A_337 = tpu.vector_load %arg7[%swap3A_335, %swap3A_336] {strides = array<i32>} : memref<35x640xf32, #tpu.memory_space<vmem>>, vector<16xf32>,
        tpu.vector_store %arg7[%swap3A_335, %swap3A_336], %mul3A_334 {add = true, strides = array<i32>} : memref<35x640xf32, #tpu.memory_space<vmem>>, vector<16xf32>,
        %get3A_338 = arith.index_cast %scan3A_27 : i32 to index
        %get3A_339 = arith.constant 240 : index
        %get3A_340 = tpu.vector_load %arg5[%get3A_338, %get3A_339] {strides = array<i32>} : memref<64x512xf32, #tpu.memory_space<vmem>>, vector<16xf32>,
        %mul3A_341 = arith.mulf %get3A_340, %select_n3A : vector<16xf32>
        %swap3A_342 = arith.index_cast %squeeze3A : i32 to index
        %swap3A_343 = arith.constant 240 : index
        %swap3A_344 = tpu.vector_load %arg7[%swap3A_342, %swap3A_343] {strides = array<i32>} : memref<35x640xf32, #tpu.memory_space<vmem>>, vector<16xf32>,
        tpu.vector_store %arg7[%swap3A_342, %swap3A_343], %mul3A_341 {add = true, strides = array<i32>} : memref<35x640xf32, #tpu.memory_space<vmem>>, vector<16xf32>,
        %get3A_345 = arith.index_cast %scan3A_27 : i32 to index
        %get3A_346 = arith.constant 256 : index
        %get3A_347 = tpu.vector_load %arg5[%get3A_345, %get3A_346] {strides = array<i32>} : memref<64x512xf32, #tpu.memory_space<vmem>>, vector<16xf32>,
        %mul3A_348 = arith.mulf %get3A_347, %select_n3A : vector<16xf32>
        %swap3A_349 = arith.index_cast %squeeze3A : i32 to index
        %swap3A_350 = arith.constant 256 : index
        %swap3A_351 = tpu.vector_load %arg7[%swap3A_349, %swap3A_350] {strides = array<i32>} : memref<35x640xf32, #tpu.memory_space<vmem>>, vector<16xf32>,
        tpu.vector_store %arg7[%swap3A_349, %swap3A_350], %mul3A_348 {add = true, strides = array<i32>} : memref<35x640xf32, #tpu.memory_space<vmem>>, vector<16xf32>,
        %get3A_352 = arith.index_cast %scan3A_27 : i32 to index
        %get3A_353 = arith.constant 272 : index
        %get3A_354 = tpu.vector_load %arg5[%get3A_352, %get3A_353] {strides = array<i32>} : memref<64x512xf32, #tpu.memory_space<vmem>>, vector<16xf32>,
        %mul3A_355 = arith.mulf %get3A_354, %select_n3A : vector<16xf32>
        %swap3A_356 = arith.index_cast %squeeze3A : i32 to index
        %swap3A_357 = arith.constant 272 : index
        %swap3A_358 = tpu.vector_load %arg7[%swap3A_356, %swap3A_357] {strides = array<i32>} : memref<35x640xf32, #tpu.memory_space<vmem>>, vector<16xf32>,
        tpu.vector_store %arg7[%swap3A_356, %swap3A_357], %mul3A_355 {add = true, strides = array<i32>} : memref<35x640xf32, #tpu.memory_space<vmem>>, vector<16xf32>,
        %get3A_359 = arith.index_cast %scan3A_27 : i32 to index
        %get3A_360 = arith.constant 288 : index
        %get3A_361 = tpu.vector_load %arg5[%get3A_359, %get3A_360] {strides = array<i32>} : memref<64x512xf32, #tpu.memory_space<vmem>>, vector<16xf32>,
        %mul3A_362 = arith.mulf %get3A_361, %select_n3A : vector<16xf32>
        %swap3A_363 = arith.index_cast %squeeze3A : i32 to index
        %swap3A_364 = arith.constant 288 : index
        %swap3A_365 = tpu.vector_load %arg7[%swap3A_363, %swap3A_364] {strides = array<i32>} : memref<35x640xf32, #tpu.memory_space<vmem>>, vector<16xf32>,
        tpu.vector_store %arg7[%swap3A_363, %swap3A_364], %mul3A_362 {add = true, strides = array<i32>} : memref<35x640xf32, #tpu.memory_space<vmem>>, vector<16xf32>,
        %get3A_366 = arith.index_cast %scan3A_27 : i32 to index
        %get3A_367 = arith.constant 304 : index
        %get3A_368 = tpu.vector_load %arg5[%get3A_366, %get3A_367] {strides = array<i32>} : memref<64x512xf32, #tpu.memory_space<vmem>>, vector<16xf32>,
        %mul3A_369 = arith.mulf %get3A_368, %select_n3A : vector<16xf32>
        %swap3A_370 = arith.index_cast %squeeze3A : i32 to index
        %swap3A_371 = arith.constant 304 : index
        %swap3A_372 = tpu.vector_load %arg7[%swap3A_370, %swap3A_371] {strides = array<i32>} : memref<35x640xf32, #tpu.memory_space<vmem>>, vector<16xf32>,
        tpu.vector_store %arg7[%swap3A_370, %swap3A_371], %mul3A_369 {add = true, strides = array<i32>} : memref<35x640xf32, #tpu.memory_space<vmem>>, vector<16xf32>,
        %get3A_373 = arith.index_cast %scan3A_27 : i32 to index
        %get3A_374 = arith.constant 320 : index
        %get3A_375 = tpu.vector_load %arg5[%get3A_373, %get3A_374] {strides = array<i32>} : memref<64x512xf32, #tpu.memory_space<vmem>>, vector<16xf32>,
        %mul3A_376 = arith.mulf %get3A_375, %select_n3A : vector<16xf32>
        %swap3A_377 = arith.index_cast %squeeze3A : i32 to index
        %swap3A_378 = arith.constant 320 : index
        %swap3A_379 = tpu.vector_load %arg7[%swap3A_377, %swap3A_378] {strides = array<i32>} : memref<35x640xf32, #tpu.memory_space<vmem>>, vector<16xf32>,
        tpu.vector_store %arg7[%swap3A_377, %swap3A_378], %mul3A_376 {add = true, strides = array<i32>} : memref<35x640xf32, #tpu.memory_space<vmem>>, vector<16xf32>,
        %get3A_380 = arith.index_cast %scan3A_27 : i32 to index
        %get3A_381 = arith.constant 336 : index
        %get3A_382 = tpu.vector_load %arg5[%get3A_380, %get3A_381] {strides = array<i32>} : memref<64x512xf32, #tpu.memory_space<vmem>>, vector<16xf32>,
        %mul3A_383 = arith.mulf %get3A_382, %select_n3A : vector<16xf32>
        %swap3A_384 = arith.index_cast %squeeze3A : i32 to index
        %swap3A_385 = arith.constant 336 : index
        %swap3A_386 = tpu.vector_load %arg7[%swap3A_384, %swap3A_385] {strides = array<i32>} : memref<35x640xf32, #tpu.memory_space<vmem>>, vector<16xf32>,
        tpu.vector_store %arg7[%swap3A_384, %swap3A_385], %mul3A_383 {add = true, strides = array<i32>} : memref<35x640xf32, #tpu.memory_space<vmem>>, vector<16xf32>,
        %get3A_387 = arith.index_cast %scan3A_27 : i32 to index
        %get3A_388 = arith.constant 352 : index
        %get3A_389 = tpu.vector_load %arg5[%get3A_387, %get3A_388] {strides = array<i32>} : memref<64x512xf32, #tpu.memory_space<vmem>>, vector<16xf32>,
        %mul3A_390 = arith.mulf %get3A_389, %select_n3A : vector<16xf32>
        %swap3A_391 = arith.index_cast %squeeze3A : i32 to index
        %swap3A_392 = arith.constant 352 : index
        %swap3A_393 = tpu.vector_load %arg7[%swap3A_391, %swap3A_392] {strides = array<i32>} : memref<35x640xf32, #tpu.memory_space<vmem>>, vector<16xf32>,
        tpu.vector_store %arg7[%swap3A_391, %swap3A_392], %mul3A_390 {add = true, strides = array<i32>} : memref<35x640xf32, #tpu.memory_space<vmem>>, vector<16xf32>,
        %get3A_394 = arith.index_cast %scan3A_27 : i32 to index
        %get3A_395 = arith.constant 368 : index
        %get3A_396 = tpu.vector_load %arg5[%get3A_394, %get3A_395] {strides = array<i32>} : memref<64x512xf32, #tpu.memory_space<vmem>>, vector<16xf32>,
        %mul3A_397 = arith.mulf %get3A_396, %select_n3A : vector<16xf32>
        %swap3A_398 = arith.index_cast %squeeze3A : i32 to index
        %swap3A_399 = arith.constant 368 : index
        %swap3A_400 = tpu.vector_load %arg7[%swap3A_398, %swap3A_399] {strides = array<i32>} : memref<35x640xf32, #tpu.memory_space<vmem>>, vector<16xf32>,
        tpu.vector_store %arg7[%swap3A_398, %swap3A_399], %mul3A_397 {add = true, strides = array<i32>} : memref<35x640xf32, #tpu.memory_space<vmem>>, vector<16xf32>,
        %get3A_401 = arith.index_cast %scan3A_27 : i32 to index
        %get3A_402 = arith.constant 384 : index
        %get3A_403 = tpu.vector_load %arg5[%get3A_401, %get3A_402] {strides = array<i32>} : memref<64x512xf32, #tpu.memory_space<vmem>>, vector<16xf32>,
        %mul3A_404 = arith.mulf %get3A_403, %select_n3A : vector<16xf32>
        %swap3A_405 = arith.index_cast %squeeze3A : i32 to index
        %swap3A_406 = arith.constant 384 : index
        %swap3A_407 = tpu.vector_load %arg7[%swap3A_405, %swap3A_406] {strides = array<i32>} : memref<35x640xf32, #tpu.memory_space<vmem>>, vector<16xf32>,
        tpu.vector_store %arg7[%swap3A_405, %swap3A_406], %mul3A_404 {add = true, strides = array<i32>} : memref<35x640xf32, #tpu.memory_space<vmem>>, vector<16xf32>,
        %get3A_408 = arith.index_cast %scan3A_27 : i32 to index
        %get3A_409 = arith.constant 400 : index
        %get3A_410 = tpu.vector_load %arg5[%get3A_408, %get3A_409] {strides = array<i32>} : memref<64x512xf32, #tpu.memory_space<vmem>>, vector<16xf32>,
        %mul3A_411 = arith.mulf %get3A_410, %select_n3A : vector<16xf32>
        %swap3A_412 = arith.index_cast %squeeze3A : i32 to index
        %swap3A_413 = arith.constant 400 : index
        %swap3A_414 = tpu.vector_load %arg7[%swap3A_412, %swap3A_413] {strides = array<i32>} : memref<35x640xf32, #tpu.memory_space<vmem>>, vector<16xf32>,
        tpu.vector_store %arg7[%swap3A_412, %swap3A_413], %mul3A_411 {add = true, strides = array<i32>} : memref<35x640xf32, #tpu.memory_space<vmem>>, vector<16xf32>,
        %get3A_415 = arith.index_cast %scan3A_27 : i32 to index
        %get3A_416 = arith.constant 416 : index
        %get3A_417 = tpu.vector_load %arg5[%get3A_415, %get3A_416] {strides = array<i32>} : memref<64x512xf32, #tpu.memory_space<vmem>>, vector<16xf32>,
        %mul3A_418 = arith.mulf %get3A_417, %select_n3A : vector<16xf32>
        %swap3A_419 = arith.index_cast %squeeze3A : i32 to index
        %swap3A_420 = arith.constant 416 : index
        %swap3A_421 = tpu.vector_load %arg7[%swap3A_419, %swap3A_420] {strides = array<i32>} : memref<35x640xf32, #tpu.memory_space<vmem>>, vector<16xf32>,
        tpu.vector_store %arg7[%swap3A_419, %swap3A_420], %mul3A_418 {add = true, strides = array<i32>} : memref<35x640xf32, #tpu.memory_space<vmem>>, vector<16xf32>,
        %get3A_422 = arith.index_cast %scan3A_27 : i32 to index
        %get3A_423 = arith.constant 432 : index
        %get3A_424 = tpu.vector_load %arg5[%get3A_422, %get3A_423] {strides = array<i32>} : memref<64x512xf32, #tpu.memory_space<vmem>>, vector<16xf32>,
        %mul3A_425 = arith.mulf %get3A_424, %select_n3A : vector<16xf32>
        %swap3A_426 = arith.index_cast %squeeze3A : i32 to index
        %swap3A_427 = arith.constant 432 : index
        %swap3A_428 = tpu.vector_load %arg7[%swap3A_426, %swap3A_427] {strides = array<i32>} : memref<35x640xf32, #tpu.memory_space<vmem>>, vector<16xf32>,
        tpu.vector_store %arg7[%swap3A_426, %swap3A_427], %mul3A_425 {add = true, strides = array<i32>} : memref<35x640xf32, #tpu.memory_space<vmem>>, vector<16xf32>,
        %get3A_429 = arith.index_cast %scan3A_27 : i32 to index
        %get3A_430 = arith.constant 448 : index
        %get3A_431 = tpu.vector_load %arg5[%get3A_429, %get3A_430] {strides = array<i32>} : memref<64x512xf32, #tpu.memory_space<vmem>>, vector<16xf32>,
        %mul3A_432 = arith.mulf %get3A_431, %select_n3A : vector<16xf32>
        %swap3A_433 = arith.index_cast %squeeze3A : i32 to index
        %swap3A_434 = arith.constant 448 : index
        %swap3A_435 = tpu.vector_load %arg7[%swap3A_433, %swap3A_434] {strides = array<i32>} : memref<35x640xf32, #tpu.memory_space<vmem>>, vector<16xf32>,
        tpu.vector_store %arg7[%swap3A_433, %swap3A_434], %mul3A_432 {add = true, strides = array<i32>} : memref<35x640xf32, #tpu.memory_space<vmem>>, vector<16xf32>,
        %get3A_436 = arith.index_cast %scan3A_27 : i32 to index
        %get3A_437 = arith.constant 464 : index
        %get3A_438 = tpu.vector_load %arg5[%get3A_436, %get3A_437] {strides = array<i32>} : memref<64x512xf32, #tpu.memory_space<vmem>>, vector<16xf32>,
        %mul3A_439 = arith.mulf %get3A_438, %select_n3A : vector<16xf32>
        %swap3A_440 = arith.index_cast %squeeze3A : i32 to index
        %swap3A_441 = arith.constant 464 : index
        %swap3A_442 = tpu.vector_load %arg7[%swap3A_440, %swap3A_441] {strides = array<i32>} : memref<35x640xf32, #tpu.memory_space<vmem>>, vector<16xf32>,
        tpu.vector_store %arg7[%swap3A_440, %swap3A_441], %mul3A_439 {add = true, strides = array<i32>} : memref<35x640xf32, #tpu.memory_space<vmem>>, vector<16xf32>,
        %get3A_443 = arith.index_cast %scan3A_27 : i32 to index
        %get3A_444 = arith.constant 480 : index
        %get3A_445 = tpu.vector_load %arg5[%get3A_443, %get3A_444] {strides = array<i32>} : memref<64x512xf32, #tpu.memory_space<vmem>>, vector<16xf32>,
        %mul3A_446 = arith.mulf %get3A_445, %select_n3A : vector<16xf32>
        %swap3A_447 = arith.index_cast %squeeze3A : i32 to index
        %swap3A_448 = arith.constant 480 : index
        %swap3A_449 = tpu.vector_load %arg7[%swap3A_447, %swap3A_448] {strides = array<i32>} : memref<35x640xf32, #tpu.memory_space<vmem>>, vector<16xf32>,
        tpu.vector_store %arg7[%swap3A_447, %swap3A_448], %mul3A_446 {add = true, strides = array<i32>} : memref<35x640xf32, #tpu.memory_space<vmem>>, vector<16xf32>,
        %get3A_450 = arith.index_cast %scan3A_27 : i32 to index
        %get3A_451 = arith.constant 496 : index
        %get3A_452 = tpu.vector_load %arg5[%get3A_450, %get3A_451] {strides = array<i32>} : memref<64x512xf32, #tpu.memory_space<vmem>>, vector<16xf32>,
        %mul3A_453 = arith.mulf %get3A_452, %select_n3A : vector<16xf32>
        %swap3A_454 = arith.index_cast %squeeze3A : i32 to index
        %swap3A_455 = arith.constant 496 : index
        %swap3A_456 = tpu.vector_load %arg7[%swap3A_454, %swap3A_455] {strides = array<i32>} : memref<35x640xf32, #tpu.memory_space<vmem>>, vector<16xf32>,
        tpu.vector_store %arg7[%swap3A_454, %swap3A_455], %mul3A_453 {add = true, strides = array<i32>} : memref<35x640xf32, #tpu.memory_space<vmem>>, vector<16xf32>,
        %mul3A_457 = arith.mulf %broadcast_in_dim3A_193, %select_n3A : vector<16xf32>
        %mul3A_458 = arith.mulf %mul3A_457, %select_n3A : vector<16xf32>
        %eq3A = arith.constant 0 : i32
        %eq3A_459 = vector.broadcast %eq3A : i32 to vector<16xi32>
        %eq3A_460 = arith.cmpi eq, %iota3A, %eq3A_459 : vector<16xi32>
        %eq3A_461 = arith.constant 1 : i32
        %eq3A_462 = vector.broadcast %eq3A_461 : i32 to vector<16xi32>
        %eq3A_463 = arith.cmpi eq, %iota3A, %eq3A_462 : vector<16xi32>
        %jit3A_464 = arith.constant 0.000000e+00 : f32
        %broadcast_in_dim3A_465 = vector.broadcast %jit3A_464 : f32 to vector<16xf32>
        %select_n3A_466 = arith.select %eq3A_463, %mul3A_458, %broadcast_in_dim3A_465 : vector<16xi1>, vector<16xf32>
        %jit3A_467 = arith.constant 1.000000e+00 : f32
        %broadcast_in_dim3A_468 = vector.broadcast %jit3A_467 : f32 to vector<16xf32>
        %select_n3A_469 = arith.select %eq3A_460, %broadcast_in_dim3A_468, %select_n3A_466 : vector<16xi1>, vector<16xf32>
        %swap3A_470 = arith.index_cast %squeeze3A : i32 to index
        %swap3A_471 = arith.constant 512 : index
        %swap3A_472 = tpu.vector_load %arg7[%swap3A_470, %swap3A_471] {strides = array<i32>} : memref<35x640xf32, #tpu.memory_space<vmem>>, vector<16xf32>,
        tpu.vector_store %arg7[%swap3A_470, %swap3A_471], %select_n3A_469 {add = true, strides = array<i32>} : memref<35x640xf32, #tpu.memory_space<vmem>>, vector<16xf32>,
        %scan3A_473 = arith.constant 1 : i32
        %scan3A_474 = arith.addi %scan3A_27, %scan3A_473 : i32
        %get3A_475 = arith.index_cast %scan3A_474 : i32 to index
        %get3A_476 = arith.constant 0 : index
        %get3A_477 = tpu.vector_load %arg5[%get3A_475, %get3A_476] {strides = array<i32>} : memref<64x512xf32, #tpu.memory_space<vmem>>, vector<16xf32>,
        %get3A_478 = arith.index_cast %scan3A_474 : i32 to index
        %get3A_479 = arith.constant 16 : index
        %get3A_480 = tpu.vector_load %arg5[%get3A_478, %get3A_479] {strides = array<i32>} : memref<64x512xf32, #tpu.memory_space<vmem>>, vector<16xf32>,
        %get3A_481 = arith.index_cast %scan3A_474 : i32 to index
        %get3A_482 = arith.constant 32 : index
        %get3A_483 = tpu.vector_load %arg5[%get3A_481, %get3A_482] {strides = array<i32>} : memref<64x512xf32, #tpu.memory_space<vmem>>, vector<16xf32>,
        %get3A_484 = arith.index_cast %scan3A_474 : i32 to index
        %get3A_485 = arith.constant 48 : index
        %get3A_486 = tpu.vector_load %arg5[%get3A_484, %get3A_485] {strides = array<i32>} : memref<64x512xf32, #tpu.memory_space<vmem>>, vector<16xf32>,
        %mul3A_487 = arith.mulf %get3A_477, %get3A_477 : vector<16xf32>
        %add3A_488 = arith.addf %broadcast_in_dim3A_5, %mul3A_487 : vector<16xf32>
        %mul3A_489 = arith.mulf %get3A_480, %get3A_480 : vector<16xf32>
        %add3A_490 = arith.addf %broadcast_in_dim3A_5, %mul3A_489 : vector<16xf32>
        %mul3A_491 = arith.mulf %get3A_483, %get3A_483 : vector<16xf32>
        %add3A_492 = arith.addf %broadcast_in_dim3A_5, %mul3A_491 : vector<16xf32>
        %mul3A_493 = arith.mulf %get3A_486, %get3A_486 : vector<16xf32>
        %add3A_494 = arith.addf %broadcast_in_dim3A_5, %mul3A_493 : vector<16xf32>
        %get3A_495 = arith.index_cast %scan3A_474 : i32 to index
        %get3A_496 = arith.constant 64 : index
        %get3A_497 = tpu.vector_load %arg5[%get3A_495, %get3A_496] {strides = array<i32>} : memref<64x512xf32, #tpu.memory_space<vmem>>, vector<16xf32>,
        %get3A_498 = arith.index_cast %scan3A_474 : i32 to index
        %get3A_499 = arith.constant 80 : index
        %get3A_500 = tpu.vector_load %arg5[%get3A_498, %get3A_499] {strides = array<i32>} : memref<64x512xf32, #tpu.memory_space<vmem>>, vector<16xf32>,
        %get3A_501 = arith.index_cast %scan3A_474 : i32 to index
        %get3A_502 = arith.constant 96 : index
        %get3A_503 = tpu.vector_load %arg5[%get3A_501, %get3A_502] {strides = array<i32>} : memref<64x512xf32, #tpu.memory_space<vmem>>, vector<16xf32>,
        %get3A_504 = arith.index_cast %scan3A_474 : i32 to index
        %get3A_505 = arith.constant 112 : index
        %get3A_506 = tpu.vector_load %arg5[%get3A_504, %get3A_505] {strides = array<i32>} : memref<64x512xf32, #tpu.memory_space<vmem>>, vector<16xf32>,
        %mul3A_507 = arith.mulf %get3A_497, %get3A_497 : vector<16xf32>
        %add3A_508 = arith.addf %add3A_488, %mul3A_507 : vector<16xf32>
        %mul3A_509 = arith.mulf %get3A_500, %get3A_500 : vector<16xf32>
        %add3A_510 = arith.addf %add3A_490, %mul3A_509 : vector<16xf32>
        %mul3A_511 = arith.mulf %get3A_503, %get3A_503 : vector<16xf32>
        %add3A_512 = arith.addf %add3A_492, %mul3A_511 : vector<16xf32>
        %mul3A_513 = arith.mulf %get3A_506, %get3A_506 : vector<16xf32>
        %add3A_514 = arith.addf %add3A_494, %mul3A_513 : vector<16xf32>
        %get3A_515 = arith.index_cast %scan3A_474 : i32 to index
        %get3A_516 = arith.constant 128 : index
        %get3A_517 = tpu.vector_load %arg5[%get3A_515, %get3A_516] {strides = array<i32>} : memref<64x512xf32, #tpu.memory_space<vmem>>, vector<16xf32>,
        %get3A_518 = arith.index_cast %scan3A_474 : i32 to index
        %get3A_519 = arith.constant 144 : index
        %get3A_520 = tpu.vector_load %arg5[%get3A_518, %get3A_519] {strides = array<i32>} : memref<64x512xf32, #tpu.memory_space<vmem>>, vector<16xf32>,
        %get3A_521 = arith.index_cast %scan3A_474 : i32 to index
        %get3A_522 = arith.constant 160 : index
        %get3A_523 = tpu.vector_load %arg5[%get3A_521, %get3A_522] {strides = array<i32>} : memref<64x512xf32, #tpu.memory_space<vmem>>, vector<16xf32>,
        %get3A_524 = arith.index_cast %scan3A_474 : i32 to index
        %get3A_525 = arith.constant 176 : index
        %get3A_526 = tpu.vector_load %arg5[%get3A_524, %get3A_525] {strides = array<i32>} : memref<64x512xf32, #tpu.memory_space<vmem>>, vector<16xf32>,
        %mul3A_527 = arith.mulf %get3A_517, %get3A_517 : vector<16xf32>
        %add3A_528 = arith.addf %add3A_508, %mul3A_527 : vector<16xf32>
        %mul3A_529 = arith.mulf %get3A_520, %get3A_520 : vector<16xf32>
        %add3A_530 = arith.addf %add3A_510, %mul3A_529 : vector<16xf32>
        %mul3A_531 = arith.mulf %get3A_523, %get3A_523 : vector<16xf32>
        %add3A_532 = arith.addf %add3A_512, %mul3A_531 : vector<16xf32>
        %mul3A_533 = arith.mulf %get3A_526, %get3A_526 : vector<16xf32>
        %add3A_534 = arith.addf %add3A_514, %mul3A_533 : vector<16xf32>
        %get3A_535 = arith.index_cast %scan3A_474 : i32 to index
        %get3A_536 = arith.constant 192 : index
        %get3A_537 = tpu.vector_load %arg5[%get3A_535, %get3A_536] {strides = array<i32>} : memref<64x512xf32, #tpu.memory_space<vmem>>, vector<16xf32>,
        %get3A_538 = arith.index_cast %scan3A_474 : i32 to index
        %get3A_539 = arith.constant 208 : index
        %get3A_540 = tpu.vector_load %arg5[%get3A_538, %get3A_539] {strides = array<i32>} : memref<64x512xf32, #tpu.memory_space<vmem>>, vector<16xf32>,
        %get3A_541 = arith.index_cast %scan3A_474 : i32 to index
        %get3A_542 = arith.constant 224 : index
        %get3A_543 = tpu.vector_load %arg5[%get3A_541, %get3A_542] {strides = array<i32>} : memref<64x512xf32, #tpu.memory_space<vmem>>, vector<16xf32>,
        %get3A_544 = arith.index_cast %scan3A_474 : i32 to index
        %get3A_545 = arith.constant 240 : index
        %get3A_546 = tpu.vector_load %arg5[%get3A_544, %get3A_545] {strides = array<i32>} : memref<64x512xf32, #tpu.memory_space<vmem>>, vector<16xf32>,
        %mul3A_547 = arith.mulf %get3A_537, %get3A_537 : vector<16xf32>
        %add3A_548 = arith.addf %add3A_528, %mul3A_547 : vector<16xf32>
        %mul3A_549 = arith.mulf %get3A_540, %get3A_540 : vector<16xf32>
        %add3A_550 = arith.addf %add3A_530, %mul3A_549 : vector<16xf32>
        %mul3A_551 = arith.mulf %get3A_543, %get3A_543 : vector<16xf32>
        %add3A_552 = arith.addf %add3A_532, %mul3A_551 : vector<16xf32>
        %mul3A_553 = arith.mulf %get3A_546, %get3A_546 : vector<16xf32>
        %add3A_554 = arith.addf %add3A_534, %mul3A_553 : vector<16xf32>
        %get3A_555 = arith.index_cast %scan3A_474 : i32 to index
        %get3A_556 = arith.constant 256 : index
        %get3A_557 = tpu.vector_load %arg5[%get3A_555, %get3A_556] {strides = array<i32>} : memref<64x512xf32, #tpu.memory_space<vmem>>, vector<16xf32>,
        %get3A_558 = arith.index_cast %scan3A_474 : i32 to index
        %get3A_559 = arith.constant 272 : index
        %get3A_560 = tpu.vector_load %arg5[%get3A_558, %get3A_559] {strides = array<i32>} : memref<64x512xf32, #tpu.memory_space<vmem>>, vector<16xf32>,
        %get3A_561 = arith.index_cast %scan3A_474 : i32 to index
        %get3A_562 = arith.constant 288 : index
        %get3A_563 = tpu.vector_load %arg5[%get3A_561, %get3A_562] {strides = array<i32>} : memref<64x512xf32, #tpu.memory_space<vmem>>, vector<16xf32>,
        %get3A_564 = arith.index_cast %scan3A_474 : i32 to index
        %get3A_565 = arith.constant 304 : index
        %get3A_566 = tpu.vector_load %arg5[%get3A_564, %get3A_565] {strides = array<i32>} : memref<64x512xf32, #tpu.memory_space<vmem>>, vector<16xf32>,
        %mul3A_567 = arith.mulf %get3A_557, %get3A_557 : vector<16xf32>
        %add3A_568 = arith.addf %add3A_548, %mul3A_567 : vector<16xf32>
        %mul3A_569 = arith.mulf %get3A_560, %get3A_560 : vector<16xf32>
        %add3A_570 = arith.addf %add3A_550, %mul3A_569 : vector<16xf32>
        %mul3A_571 = arith.mulf %get3A_563, %get3A_563 : vector<16xf32>
        %add3A_572 = arith.addf %add3A_552, %mul3A_571 : vector<16xf32>
        %mul3A_573 = arith.mulf %get3A_566, %get3A_566 : vector<16xf32>
        %add3A_574 = arith.addf %add3A_554, %mul3A_573 : vector<16xf32>
        %get3A_575 = arith.index_cast %scan3A_474 : i32 to index
        %get3A_576 = arith.constant 320 : index
        %get3A_577 = tpu.vector_load %arg5[%get3A_575, %get3A_576] {strides = array<i32>} : memref<64x512xf32, #tpu.memory_space<vmem>>, vector<16xf32>,
        %get3A_578 = arith.index_cast %scan3A_474 : i32 to index
        %get3A_579 = arith.constant 336 : index
        %get3A_580 = tpu.vector_load %arg5[%get3A_578, %get3A_579] {strides = array<i32>} : memref<64x512xf32, #tpu.memory_space<vmem>>, vector<16xf32>,
        %get3A_581 = arith.index_cast %scan3A_474 : i32 to index
        %get3A_582 = arith.constant 352 : index
        %get3A_583 = tpu.vector_load %arg5[%get3A_581, %get3A_582] {strides = array<i32>} : memref<64x512xf32, #tpu.memory_space<vmem>>, vector<16xf32>,
        %get3A_584 = arith.index_cast %scan3A_474 : i32 to index
        %get3A_585 = arith.constant 368 : index
        %get3A_586 = tpu.vector_load %arg5[%get3A_584, %get3A_585] {strides = array<i32>} : memref<64x512xf32, #tpu.memory_space<vmem>>, vector<16xf32>,
        %mul3A_587 = arith.mulf %get3A_577, %get3A_577 : vector<16xf32>
        %add3A_588 = arith.addf %add3A_568, %mul3A_587 : vector<16xf32>
        %mul3A_589 = arith.mulf %get3A_580, %get3A_580 : vector<16xf32>
        %add3A_590 = arith.addf %add3A_570, %mul3A_589 : vector<16xf32>
        %mul3A_591 = arith.mulf %get3A_583, %get3A_583 : vector<16xf32>
        %add3A_592 = arith.addf %add3A_572, %mul3A_591 : vector<16xf32>
        %mul3A_593 = arith.mulf %get3A_586, %get3A_586 : vector<16xf32>
        %add3A_594 = arith.addf %add3A_574, %mul3A_593 : vector<16xf32>
        %get3A_595 = arith.index_cast %scan3A_474 : i32 to index
        %get3A_596 = arith.constant 384 : index
        %get3A_597 = tpu.vector_load %arg5[%get3A_595, %get3A_596] {strides = array<i32>} : memref<64x512xf32, #tpu.memory_space<vmem>>, vector<16xf32>,
        %get3A_598 = arith.index_cast %scan3A_474 : i32 to index
        %get3A_599 = arith.constant 400 : index
        %get3A_600 = tpu.vector_load %arg5[%get3A_598, %get3A_599] {strides = array<i32>} : memref<64x512xf32, #tpu.memory_space<vmem>>, vector<16xf32>,
        %get3A_601 = arith.index_cast %scan3A_474 : i32 to index
        %get3A_602 = arith.constant 416 : index
        %get3A_603 = tpu.vector_load %arg5[%get3A_601, %get3A_602] {strides = array<i32>} : memref<64x512xf32, #tpu.memory_space<vmem>>, vector<16xf32>,
        %get3A_604 = arith.index_cast %scan3A_474 : i32 to index
        %get3A_605 = arith.constant 432 : index
        %get3A_606 = tpu.vector_load %arg5[%get3A_604, %get3A_605] {strides = array<i32>} : memref<64x512xf32, #tpu.memory_space<vmem>>, vector<16xf32>,
        %mul3A_607 = arith.mulf %get3A_597, %get3A_597 : vector<16xf32>
        %add3A_608 = arith.addf %add3A_588, %mul3A_607 : vector<16xf32>
        %mul3A_609 = arith.mulf %get3A_600, %get3A_600 : vector<16xf32>
        %add3A_610 = arith.addf %add3A_590, %mul3A_609 : vector<16xf32>
        %mul3A_611 = arith.mulf %get3A_603, %get3A_603 : vector<16xf32>
        %add3A_612 = arith.addf %add3A_592, %mul3A_611 : vector<16xf32>
        %mul3A_613 = arith.mulf %get3A_606, %get3A_606 : vector<16xf32>
        %add3A_614 = arith.addf %add3A_594, %mul3A_613 : vector<16xf32>
        %get3A_615 = arith.index_cast %scan3A_474 : i32 to index
        %get3A_616 = arith.constant 448 : index
        %get3A_617 = tpu.vector_load %arg5[%get3A_615, %get3A_616] {strides = array<i32>} : memref<64x512xf32, #tpu.memory_space<vmem>>, vector<16xf32>,
        %get3A_618 = arith.index_cast %scan3A_474 : i32 to index
        %get3A_619 = arith.constant 464 : index
        %get3A_620 = tpu.vector_load %arg5[%get3A_618, %get3A_619] {strides = array<i32>} : memref<64x512xf32, #tpu.memory_space<vmem>>, vector<16xf32>,
        %get3A_621 = arith.index_cast %scan3A_474 : i32 to index
        %get3A_622 = arith.constant 480 : index
        %get3A_623 = tpu.vector_load %arg5[%get3A_621, %get3A_622] {strides = array<i32>} : memref<64x512xf32, #tpu.memory_space<vmem>>, vector<16xf32>,
        %get3A_624 = arith.index_cast %scan3A_474 : i32 to index
        %get3A_625 = arith.constant 496 : index
        %get3A_626 = tpu.vector_load %arg5[%get3A_624, %get3A_625] {strides = array<i32>} : memref<64x512xf32, #tpu.memory_space<vmem>>, vector<16xf32>,
        %mul3A_627 = arith.mulf %get3A_617, %get3A_617 : vector<16xf32>
        %add3A_628 = arith.addf %add3A_608, %mul3A_627 : vector<16xf32>
        %mul3A_629 = arith.mulf %get3A_620, %get3A_620 : vector<16xf32>
        %add3A_630 = arith.addf %add3A_610, %mul3A_629 : vector<16xf32>
        %mul3A_631 = arith.mulf %get3A_623, %get3A_623 : vector<16xf32>
        %add3A_632 = arith.addf %add3A_612, %mul3A_631 : vector<16xf32>
        %mul3A_633 = arith.mulf %get3A_626, %get3A_626 : vector<16xf32>
        %add3A_634 = arith.addf %add3A_614, %mul3A_633 : vector<16xf32>
        %add3A_635 = arith.addf %add3A_628, %add3A_630 : vector<16xf32>
        %add3A_636 = arith.addf %add3A_632, %add3A_634 : vector<16xf32>
        %add3A_637 = arith.addf %add3A_635, %add3A_636 : vector<16xf32>
        %reduce_sum3A_638 = arith.constant true
        %reduce_sum3A_639 = vector.broadcast %reduce_sum3A_638 : i1 to vector<16xi1>
        %reduce_sum3A_640 = tpu.scan <sum>, %add3A_637 masked %reduce_sum3A_639 : vector<16xf32>, vector<16xi1> -> vector<16xf32>
        %reduce_sum3A_641 = vector.extract %reduce_sum3A_640[15] : f32 from vector<16xf32>
        %broadcast_in_dim3A_642 = vector.broadcast %reduce_sum3A_641 : f32 to vector<16xf32>
        %bitcast3A_643 = vector.bitcast %broadcast_in_dim3A_642 : vector<16xf32> to vector<16xi32>
        %shift_right_arithmetic3A_644 = arith.constant 1 : i32
        %shift_right_arithmetic3A_645 = vector.broadcast %shift_right_arithmetic3A_644 : i32 to vector<16xi32>
        %shift_right_arithmetic3A_646 = arith.shrsi %bitcast3A_643, %shift_right_arithmetic3A_645 : vector<16xi32>
        %sub3A_647 = arith.constant 1597463007 : i32
        %sub3A_648 = vector.broadcast %sub3A_647 : i32 to vector<16xi32>
        %sub3A_649 = arith.subi %sub3A_648, %shift_right_arithmetic3A_646 : vector<16xi32>
        %bitcast3A_650 = vector.bitcast %sub3A_649 : vector<16xi32> to vector<16xf32>
        %mul3A_651 = arith.constant 5.000000e-01 : f32
        %mul3A_652 = vector.broadcast %mul3A_651 : f32 to vector<16xf32>
        %mul3A_653 = arith.mulf %mul3A_652, %broadcast_in_dim3A_642 : vector<16xf32>
        %mul3A_654 = arith.mulf %mul3A_653, %bitcast3A_650 : vector<16xf32>
        %mul3A_655 = arith.mulf %mul3A_654, %bitcast3A_650 : vector<16xf32>
        %sub3A_656 = arith.constant 1.500000e+00 : f32
        %sub3A_657 = vector.broadcast %sub3A_656 : f32 to vector<16xf32>
        %sub3A_658 = arith.subf %sub3A_657, %mul3A_655 : vector<16xf32>
        %mul3A_659 = arith.mulf %bitcast3A_650, %sub3A_658 : vector<16xf32>
        %mul3A_660 = arith.constant 5.000000e-01 : f32
        %mul3A_661 = vector.broadcast %mul3A_660 : f32 to vector<16xf32>
        %mul3A_662 = arith.mulf %mul3A_661, %broadcast_in_dim3A_642 : vector<16xf32>
        %mul3A_663 = arith.mulf %mul3A_662, %mul3A_659 : vector<16xf32>
        %mul3A_664 = arith.mulf %mul3A_663, %mul3A_659 : vector<16xf32>
        %sub3A_665 = arith.constant 1.500000e+00 : f32
        %sub3A_666 = vector.broadcast %sub3A_665 : f32 to vector<16xf32>
        %sub3A_667 = arith.subf %sub3A_666, %mul3A_664 : vector<16xf32>
        %mul3A_668 = arith.mulf %mul3A_659, %sub3A_667 : vector<16xf32>
        %mul3A_669 = arith.constant 5.000000e-01 : f32
        %mul3A_670 = vector.broadcast %mul3A_669 : f32 to vector<16xf32>
        %mul3A_671 = arith.mulf %mul3A_670, %broadcast_in_dim3A_642 : vector<16xf32>
        %mul3A_672 = arith.mulf %mul3A_671, %mul3A_668 : vector<16xf32>
        %mul3A_673 = arith.mulf %mul3A_672, %mul3A_668 : vector<16xf32>
        %sub3A_674 = arith.constant 1.500000e+00 : f32
        %sub3A_675 = vector.broadcast %sub3A_674 : f32 to vector<16xf32>
        %sub3A_676 = arith.subf %sub3A_675, %mul3A_673 : vector<16xf32>
        %mul3A_677 = arith.mulf %mul3A_668, %sub3A_676 : vector<16xf32>
        %lt3A_678 = arith.constant 1.000000e-24 : f32
        %lt3A_679 = vector.broadcast %lt3A_678 : f32 to vector<16xf32>
        %lt3A_680 = arith.cmpf olt, %broadcast_in_dim3A_642, %lt3A_679 : vector<16xf32>
        %jit3A_681 = arith.constant 9.99999995E+11 : f32
        %broadcast_in_dim3A_682 = vector.broadcast %jit3A_681 : f32 to vector<16xf32>
        %select_n3A_683 = arith.select %lt3A_680, %broadcast_in_dim3A_682, %mul3A_677 : vector<16xi1>, vector<16xf32>
        %mul3A_684 = arith.constant 64 : i32
        %mul3A_685 = arith.muli %scan3A_17, %mul3A_684 : i32
        %add3A_686 = arith.addi %mul3A_685, %scan3A_474 : i32
        %get3A_687 = arith.index_cast %add3A_686 : i32 to index
        %get3A_688 = tpu.vector_load %arg6[%get3A_687] {strides = array<i32>} : memref<144xi32, #tpu.memory_space<vmem>>, vector<16xi32>,
        %slice3A_689 = vector.extract_strided_slice %get3A_688 {offsets = [0], sizes = [1], strides = [1]} : vector<16xi32> to vector<1xi32>
        %squeeze3A_690 = vector.extract %slice3A_689[0] : i32 from vector<1xi32>
        %get3A_691 = arith.index_cast %scan3A_474 : i32 to index
        %get3A_692 = arith.constant 0 : index
        %get3A_693 = tpu.vector_load %arg5[%get3A_691, %get3A_692] {strides = array<i32>} : memref<64x512xf32, #tpu.memory_space<vmem>>, vector<16xf32>,
        %mul3A_694 = arith.mulf %get3A_693, %select_n3A_683 : vector<16xf32>
        %swap3A_695 = arith.index_cast %squeeze3A_690 : i32 to index
        %swap3A_696 = arith.constant 0 : index
        %swap3A_697 = tpu.vector_load %arg7[%swap3A_695, %swap3A_696] {strides = array<i32>} : memref<35x640xf32, #tpu.memory_space<vmem>>, vector<16xf32>,
        tpu.vector_store %arg7[%swap3A_695, %swap3A_696], %mul3A_694 {add = true, strides = array<i32>} : memref<35x640xf32, #tpu.memory_space<vmem>>, vector<16xf32>,
        %get3A_698 = arith.index_cast %scan3A_474 : i32 to index
        %get3A_699 = arith.constant 16 : index
        %get3A_700 = tpu.vector_load %arg5[%get3A_698, %get3A_699] {strides = array<i32>} : memref<64x512xf32, #tpu.memory_space<vmem>>, vector<16xf32>,
        %mul3A_701 = arith.mulf %get3A_700, %select_n3A_683 : vector<16xf32>
        %swap3A_702 = arith.index_cast %squeeze3A_690 : i32 to index
        %swap3A_703 = arith.constant 16 : index
        %swap3A_704 = tpu.vector_load %arg7[%swap3A_702, %swap3A_703] {strides = array<i32>} : memref<35x640xf32, #tpu.memory_space<vmem>>, vector<16xf32>,
        tpu.vector_store %arg7[%swap3A_702, %swap3A_703], %mul3A_701 {add = true, strides = array<i32>} : memref<35x640xf32, #tpu.memory_space<vmem>>, vector<16xf32>,
        %get3A_705 = arith.index_cast %scan3A_474 : i32 to index
        %get3A_706 = arith.constant 32 : index
        %get3A_707 = tpu.vector_load %arg5[%get3A_705, %get3A_706] {strides = array<i32>} : memref<64x512xf32, #tpu.memory_space<vmem>>, vector<16xf32>,
        %mul3A_708 = arith.mulf %get3A_707, %select_n3A_683 : vector<16xf32>
        %swap3A_709 = arith.index_cast %squeeze3A_690 : i32 to index
        %swap3A_710 = arith.constant 32 : index
        %swap3A_711 = tpu.vector_load %arg7[%swap3A_709, %swap3A_710] {strides = array<i32>} : memref<35x640xf32, #tpu.memory_space<vmem>>, vector<16xf32>,
        tpu.vector_store %arg7[%swap3A_709, %swap3A_710], %mul3A_708 {add = true, strides = array<i32>} : memref<35x640xf32, #tpu.memory_space<vmem>>, vector<16xf32>,
        %get3A_712 = arith.index_cast %scan3A_474 : i32 to index
        %get3A_713 = arith.constant 48 : index
        %get3A_714 = tpu.vector_load %arg5[%get3A_712, %get3A_713] {strides = array<i32>} : memref<64x512xf32, #tpu.memory_space<vmem>>, vector<16xf32>,
        %mul3A_715 = arith.mulf %get3A_714, %select_n3A_683 : vector<16xf32>
        %swap3A_716 = arith.index_cast %squeeze3A_690 : i32 to index
        %swap3A_717 = arith.constant 48 : index
        %swap3A_718 = tpu.vector_load %arg7[%swap3A_716, %swap3A_717] {strides = array<i32>} : memref<35x640xf32, #tpu.memory_space<vmem>>, vector<16xf32>,
        tpu.vector_store %arg7[%swap3A_716, %swap3A_717], %mul3A_715 {add = true, strides = array<i32>} : memref<35x640xf32, #tpu.memory_space<vmem>>, vector<16xf32>,
        %get3A_719 = arith.index_cast %scan3A_474 : i32 to index
        %get3A_720 = arith.constant 64 : index
        %get3A_721 = tpu.vector_load %arg5[%get3A_719, %get3A_720] {strides = array<i32>} : memref<64x512xf32, #tpu.memory_space<vmem>>, vector<16xf32>,
        %mul3A_722 = arith.mulf %get3A_721, %select_n3A_683 : vector<16xf32>
        %swap3A_723 = arith.index_cast %squeeze3A_690 : i32 to index
        %swap3A_724 = arith.constant 64 : index
        %swap3A_725 = tpu.vector_load %arg7[%swap3A_723, %swap3A_724] {strides = array<i32>} : memref<35x640xf32, #tpu.memory_space<vmem>>, vector<16xf32>,
        tpu.vector_store %arg7[%swap3A_723, %swap3A_724], %mul3A_722 {add = true, strides = array<i32>} : memref<35x640xf32, #tpu.memory_space<vmem>>, vector<16xf32>,
        %get3A_726 = arith.index_cast %scan3A_474 : i32 to index
        %get3A_727 = arith.constant 80 : index
        %get3A_728 = tpu.vector_load %arg5[%get3A_726, %get3A_727] {strides = array<i32>} : memref<64x512xf32, #tpu.memory_space<vmem>>, vector<16xf32>,
        %mul3A_729 = arith.mulf %get3A_728, %select_n3A_683 : vector<16xf32>
        %swap3A_730 = arith.index_cast %squeeze3A_690 : i32 to index
        %swap3A_731 = arith.constant 80 : index
        %swap3A_732 = tpu.vector_load %arg7[%swap3A_730, %swap3A_731] {strides = array<i32>} : memref<35x640xf32, #tpu.memory_space<vmem>>, vector<16xf32>,
        tpu.vector_store %arg7[%swap3A_730, %swap3A_731], %mul3A_729 {add = true, strides = array<i32>} : memref<35x640xf32, #tpu.memory_space<vmem>>, vector<16xf32>,
        %get3A_733 = arith.index_cast %scan3A_474 : i32 to index
        %get3A_734 = arith.constant 96 : index
        %get3A_735 = tpu.vector_load %arg5[%get3A_733, %get3A_734] {strides = array<i32>} : memref<64x512xf32, #tpu.memory_space<vmem>>, vector<16xf32>,
        %mul3A_736 = arith.mulf %get3A_735, %select_n3A_683 : vector<16xf32>
        %swap3A_737 = arith.index_cast %squeeze3A_690 : i32 to index
        %swap3A_738 = arith.constant 96 : index
        %swap3A_739 = tpu.vector_load %arg7[%swap3A_737, %swap3A_738] {strides = array<i32>} : memref<35x640xf32, #tpu.memory_space<vmem>>, vector<16xf32>,
        tpu.vector_store %arg7[%swap3A_737, %swap3A_738], %mul3A_736 {add = true, strides = array<i32>} : memref<35x640xf32, #tpu.memory_space<vmem>>, vector<16xf32>,
        %get3A_740 = arith.index_cast %scan3A_474 : i32 to index
        %get3A_741 = arith.constant 112 : index
        %get3A_742 = tpu.vector_load %arg5[%get3A_740, %get3A_741] {strides = array<i32>} : memref<64x512xf32, #tpu.memory_space<vmem>>, vector<16xf32>,
        %mul3A_743 = arith.mulf %get3A_742, %select_n3A_683 : vector<16xf32>
        %swap3A_744 = arith.index_cast %squeeze3A_690 : i32 to index
        %swap3A_745 = arith.constant 112 : index
        %swap3A_746 = tpu.vector_load %arg7[%swap3A_744, %swap3A_745] {strides = array<i32>} : memref<35x640xf32, #tpu.memory_space<vmem>>, vector<16xf32>,
        tpu.vector_store %arg7[%swap3A_744, %swap3A_745], %mul3A_743 {add = true, strides = array<i32>} : memref<35x640xf32, #tpu.memory_space<vmem>>, vector<16xf32>,
        %get3A_747 = arith.index_cast %scan3A_474 : i32 to index
        %get3A_748 = arith.constant 128 : index
        %get3A_749 = tpu.vector_load %arg5[%get3A_747, %get3A_748] {strides = array<i32>} : memref<64x512xf32, #tpu.memory_space<vmem>>, vector<16xf32>,
        %mul3A_750 = arith.mulf %get3A_749, %select_n3A_683 : vector<16xf32>
        %swap3A_751 = arith.index_cast %squeeze3A_690 : i32 to index
        %swap3A_752 = arith.constant 128 : index
        %swap3A_753 = tpu.vector_load %arg7[%swap3A_751, %swap3A_752] {strides = array<i32>} : memref<35x640xf32, #tpu.memory_space<vmem>>, vector<16xf32>,
        tpu.vector_store %arg7[%swap3A_751, %swap3A_752], %mul3A_750 {add = true, strides = array<i32>} : memref<35x640xf32, #tpu.memory_space<vmem>>, vector<16xf32>,
        %get3A_754 = arith.index_cast %scan3A_474 : i32 to index
        %get3A_755 = arith.constant 144 : index
        %get3A_756 = tpu.vector_load %arg5[%get3A_754, %get3A_755] {strides = array<i32>} : memref<64x512xf32, #tpu.memory_space<vmem>>, vector<16xf32>,
        %mul3A_757 = arith.mulf %get3A_756, %select_n3A_683 : vector<16xf32>
        %swap3A_758 = arith.index_cast %squeeze3A_690 : i32 to index
        %swap3A_759 = arith.constant 144 : index
        %swap3A_760 = tpu.vector_load %arg7[%swap3A_758, %swap3A_759] {strides = array<i32>} : memref<35x640xf32, #tpu.memory_space<vmem>>, vector<16xf32>,
        tpu.vector_store %arg7[%swap3A_758, %swap3A_759], %mul3A_757 {add = true, strides = array<i32>} : memref<35x640xf32, #tpu.memory_space<vmem>>, vector<16xf32>,
        %get3A_761 = arith.index_cast %scan3A_474 : i32 to index
        %get3A_762 = arith.constant 160 : index
        %get3A_763 = tpu.vector_load %arg5[%get3A_761, %get3A_762] {strides = array<i32>} : memref<64x512xf32, #tpu.memory_space<vmem>>, vector<16xf32>,
        %mul3A_764 = arith.mulf %get3A_763, %select_n3A_683 : vector<16xf32>
        %swap3A_765 = arith.index_cast %squeeze3A_690 : i32 to index
        %swap3A_766 = arith.constant 160 : index
        %swap3A_767 = tpu.vector_load %arg7[%swap3A_765, %swap3A_766] {strides = array<i32>} : memref<35x640xf32, #tpu.memory_space<vmem>>, vector<16xf32>,
        tpu.vector_store %arg7[%swap3A_765, %swap3A_766], %mul3A_764 {add = true, strides = array<i32>} : memref<35x640xf32, #tpu.memory_space<vmem>>, vector<16xf32>,
        %get3A_768 = arith.index_cast %scan3A_474 : i32 to index
        %get3A_769 = arith.constant 176 : index
        %get3A_770 = tpu.vector_load %arg5[%get3A_768, %get3A_769] {strides = array<i32>} : memref<64x512xf32, #tpu.memory_space<vmem>>, vector<16xf32>,
        %mul3A_771 = arith.mulf %get3A_770, %select_n3A_683 : vector<16xf32>
        %swap3A_772 = arith.index_cast %squeeze3A_690 : i32 to index
        %swap3A_773 = arith.constant 176 : index
        %swap3A_774 = tpu.vector_load %arg7[%swap3A_772, %swap3A_773] {strides = array<i32>} : memref<35x640xf32, #tpu.memory_space<vmem>>, vector<16xf32>,
        tpu.vector_store %arg7[%swap3A_772, %swap3A_773], %mul3A_771 {add = true, strides = array<i32>} : memref<35x640xf32, #tpu.memory_space<vmem>>, vector<16xf32>,
        %get3A_775 = arith.index_cast %scan3A_474 : i32 to index
        %get3A_776 = arith.constant 192 : index
        %get3A_777 = tpu.vector_load %arg5[%get3A_775, %get3A_776] {strides = array<i32>} : memref<64x512xf32, #tpu.memory_space<vmem>>, vector<16xf32>,
        %mul3A_778 = arith.mulf %get3A_777, %select_n3A_683 : vector<16xf32>
        %swap3A_779 = arith.index_cast %squeeze3A_690 : i32 to index
        %swap3A_780 = arith.constant 192 : index
        %swap3A_781 = tpu.vector_load %arg7[%swap3A_779, %swap3A_780] {strides = array<i32>} : memref<35x640xf32, #tpu.memory_space<vmem>>, vector<16xf32>,
        tpu.vector_store %arg7[%swap3A_779, %swap3A_780], %mul3A_778 {add = true, strides = array<i32>} : memref<35x640xf32, #tpu.memory_space<vmem>>, vector<16xf32>,
        %get3A_782 = arith.index_cast %scan3A_474 : i32 to index
        %get3A_783 = arith.constant 208 : index
        %get3A_784 = tpu.vector_load %arg5[%get3A_782, %get3A_783] {strides = array<i32>} : memref<64x512xf32, #tpu.memory_space<vmem>>, vector<16xf32>,
        %mul3A_785 = arith.mulf %get3A_784, %select_n3A_683 : vector<16xf32>
        %swap3A_786 = arith.index_cast %squeeze3A_690 : i32 to index
        %swap3A_787 = arith.constant 208 : index
        %swap3A_788 = tpu.vector_load %arg7[%swap3A_786, %swap3A_787] {strides = array<i32>} : memref<35x640xf32, #tpu.memory_space<vmem>>, vector<16xf32>,
        tpu.vector_store %arg7[%swap3A_786, %swap3A_787], %mul3A_785 {add = true, strides = array<i32>} : memref<35x640xf32, #tpu.memory_space<vmem>>, vector<16xf32>,
        %get3A_789 = arith.index_cast %scan3A_474 : i32 to index
        %get3A_790 = arith.constant 224 : index
        %get3A_791 = tpu.vector_load %arg5[%get3A_789, %get3A_790] {strides = array<i32>} : memref<64x512xf32, #tpu.memory_space<vmem>>, vector<16xf32>,
        %mul3A_792 = arith.mulf %get3A_791, %select_n3A_683 : vector<16xf32>
        %swap3A_793 = arith.index_cast %squeeze3A_690 : i32 to index
        %swap3A_794 = arith.constant 224 : index
        %swap3A_795 = tpu.vector_load %arg7[%swap3A_793, %swap3A_794] {strides = array<i32>} : memref<35x640xf32, #tpu.memory_space<vmem>>, vector<16xf32>,
        tpu.vector_store %arg7[%swap3A_793, %swap3A_794], %mul3A_792 {add = true, strides = array<i32>} : memref<35x640xf32, #tpu.memory_space<vmem>>, vector<16xf32>,
        %get3A_796 = arith.index_cast %scan3A_474 : i32 to index
        %get3A_797 = arith.constant 240 : index
        %get3A_798 = tpu.vector_load %arg5[%get3A_796, %get3A_797] {strides = array<i32>} : memref<64x512xf32, #tpu.memory_space<vmem>>, vector<16xf32>,
        %mul3A_799 = arith.mulf %get3A_798, %select_n3A_683 : vector<16xf32>
        %swap3A_800 = arith.index_cast %squeeze3A_690 : i32 to index
        %swap3A_801 = arith.constant 240 : index
        %swap3A_802 = tpu.vector_load %arg7[%swap3A_800, %swap3A_801] {strides = array<i32>} : memref<35x640xf32, #tpu.memory_space<vmem>>, vector<16xf32>,
        tpu.vector_store %arg7[%swap3A_800, %swap3A_801], %mul3A_799 {add = true, strides = array<i32>} : memref<35x640xf32, #tpu.memory_space<vmem>>, vector<16xf32>,
        %get3A_803 = arith.index_cast %scan3A_474 : i32 to index
        %get3A_804 = arith.constant 256 : index
        %get3A_805 = tpu.vector_load %arg5[%get3A_803, %get3A_804] {strides = array<i32>} : memref<64x512xf32, #tpu.memory_space<vmem>>, vector<16xf32>,
        %mul3A_806 = arith.mulf %get3A_805, %select_n3A_683 : vector<16xf32>
        %swap3A_807 = arith.index_cast %squeeze3A_690 : i32 to index
        %swap3A_808 = arith.constant 256 : index
        %swap3A_809 = tpu.vector_load %arg7[%swap3A_807, %swap3A_808] {strides = array<i32>} : memref<35x640xf32, #tpu.memory_space<vmem>>, vector<16xf32>,
        tpu.vector_store %arg7[%swap3A_807, %swap3A_808], %mul3A_806 {add = true, strides = array<i32>} : memref<35x640xf32, #tpu.memory_space<vmem>>, vector<16xf32>,
        %get3A_810 = arith.index_cast %scan3A_474 : i32 to index
        %get3A_811 = arith.constant 272 : index
        %get3A_812 = tpu.vector_load %arg5[%get3A_810, %get3A_811] {strides = array<i32>} : memref<64x512xf32, #tpu.memory_space<vmem>>, vector<16xf32>,
        %mul3A_813 = arith.mulf %get3A_812, %select_n3A_683 : vector<16xf32>
        %swap3A_814 = arith.index_cast %squeeze3A_690 : i32 to index
        %swap3A_815 = arith.constant 272 : index
        %swap3A_816 = tpu.vector_load %arg7[%swap3A_814, %swap3A_815] {strides = array<i32>} : memref<35x640xf32, #tpu.memory_space<vmem>>, vector<16xf32>,
        tpu.vector_store %arg7[%swap3A_814, %swap3A_815], %mul3A_813 {add = true, strides = array<i32>} : memref<35x640xf32, #tpu.memory_space<vmem>>, vector<16xf32>,
        %get3A_817 = arith.index_cast %scan3A_474 : i32 to index
        %get3A_818 = arith.constant 288 : index
        %get3A_819 = tpu.vector_load %arg5[%get3A_817, %get3A_818] {strides = array<i32>} : memref<64x512xf32, #tpu.memory_space<vmem>>, vector<16xf32>,
        %mul3A_820 = arith.mulf %get3A_819, %select_n3A_683 : vector<16xf32>
        %swap3A_821 = arith.index_cast %squeeze3A_690 : i32 to index
        %swap3A_822 = arith.constant 288 : index
        %swap3A_823 = tpu.vector_load %arg7[%swap3A_821, %swap3A_822] {strides = array<i32>} : memref<35x640xf32, #tpu.memory_space<vmem>>, vector<16xf32>,
        tpu.vector_store %arg7[%swap3A_821, %swap3A_822], %mul3A_820 {add = true, strides = array<i32>} : memref<35x640xf32, #tpu.memory_space<vmem>>, vector<16xf32>,
        %get3A_824 = arith.index_cast %scan3A_474 : i32 to index
        %get3A_825 = arith.constant 304 : index
        %get3A_826 = tpu.vector_load %arg5[%get3A_824, %get3A_825] {strides = array<i32>} : memref<64x512xf32, #tpu.memory_space<vmem>>, vector<16xf32>,
        %mul3A_827 = arith.mulf %get3A_826, %select_n3A_683 : vector<16xf32>
        %swap3A_828 = arith.index_cast %squeeze3A_690 : i32 to index
        %swap3A_829 = arith.constant 304 : index
        %swap3A_830 = tpu.vector_load %arg7[%swap3A_828, %swap3A_829] {strides = array<i32>} : memref<35x640xf32, #tpu.memory_space<vmem>>, vector<16xf32>,
        tpu.vector_store %arg7[%swap3A_828, %swap3A_829], %mul3A_827 {add = true, strides = array<i32>} : memref<35x640xf32, #tpu.memory_space<vmem>>, vector<16xf32>,
        %get3A_831 = arith.index_cast %scan3A_474 : i32 to index
        %get3A_832 = arith.constant 320 : index
        %get3A_833 = tpu.vector_load %arg5[%get3A_831, %get3A_832] {strides = array<i32>} : memref<64x512xf32, #tpu.memory_space<vmem>>, vector<16xf32>,
        %mul3A_834 = arith.mulf %get3A_833, %select_n3A_683 : vector<16xf32>
        %swap3A_835 = arith.index_cast %squeeze3A_690 : i32 to index
        %swap3A_836 = arith.constant 320 : index
        %swap3A_837 = tpu.vector_load %arg7[%swap3A_835, %swap3A_836] {strides = array<i32>} : memref<35x640xf32, #tpu.memory_space<vmem>>, vector<16xf32>,
        tpu.vector_store %arg7[%swap3A_835, %swap3A_836], %mul3A_834 {add = true, strides = array<i32>} : memref<35x640xf32, #tpu.memory_space<vmem>>, vector<16xf32>,
        %get3A_838 = arith.index_cast %scan3A_474 : i32 to index
        %get3A_839 = arith.constant 336 : index
        %get3A_840 = tpu.vector_load %arg5[%get3A_838, %get3A_839] {strides = array<i32>} : memref<64x512xf32, #tpu.memory_space<vmem>>, vector<16xf32>,
        %mul3A_841 = arith.mulf %get3A_840, %select_n3A_683 : vector<16xf32>
        %swap3A_842 = arith.index_cast %squeeze3A_690 : i32 to index
        %swap3A_843 = arith.constant 336 : index
        %swap3A_844 = tpu.vector_load %arg7[%swap3A_842, %swap3A_843] {strides = array<i32>} : memref<35x640xf32, #tpu.memory_space<vmem>>, vector<16xf32>,
        tpu.vector_store %arg7[%swap3A_842, %swap3A_843], %mul3A_841 {add = true, strides = array<i32>} : memref<35x640xf32, #tpu.memory_space<vmem>>, vector<16xf32>,
        %get3A_845 = arith.index_cast %scan3A_474 : i32 to index
        %get3A_846 = arith.constant 352 : index
        %get3A_847 = tpu.vector_load %arg5[%get3A_845, %get3A_846] {strides = array<i32>} : memref<64x512xf32, #tpu.memory_space<vmem>>, vector<16xf32>,
        %mul3A_848 = arith.mulf %get3A_847, %select_n3A_683 : vector<16xf32>
        %swap3A_849 = arith.index_cast %squeeze3A_690 : i32 to index
        %swap3A_850 = arith.constant 352 : index
        %swap3A_851 = tpu.vector_load %arg7[%swap3A_849, %swap3A_850] {strides = array<i32>} : memref<35x640xf32, #tpu.memory_space<vmem>>, vector<16xf32>,
        tpu.vector_store %arg7[%swap3A_849, %swap3A_850], %mul3A_848 {add = true, strides = array<i32>} : memref<35x640xf32, #tpu.memory_space<vmem>>, vector<16xf32>,
        %get3A_852 = arith.index_cast %scan3A_474 : i32 to index
        %get3A_853 = arith.constant 368 : index
        %get3A_854 = tpu.vector_load %arg5[%get3A_852, %get3A_853] {strides = array<i32>} : memref<64x512xf32, #tpu.memory_space<vmem>>, vector<16xf32>,
        %mul3A_855 = arith.mulf %get3A_854, %select_n3A_683 : vector<16xf32>
        %swap3A_856 = arith.index_cast %squeeze3A_690 : i32 to index
        %swap3A_857 = arith.constant 368 : index
        %swap3A_858 = tpu.vector_load %arg7[%swap3A_856, %swap3A_857] {strides = array<i32>} : memref<35x640xf32, #tpu.memory_space<vmem>>, vector<16xf32>,
        tpu.vector_store %arg7[%swap3A_856, %swap3A_857], %mul3A_855 {add = true, strides = array<i32>} : memref<35x640xf32, #tpu.memory_space<vmem>>, vector<16xf32>,
        %get3A_859 = arith.index_cast %scan3A_474 : i32 to index
        %get3A_860 = arith.constant 384 : index
        %get3A_861 = tpu.vector_load %arg5[%get3A_859, %get3A_860] {strides = array<i32>} : memref<64x512xf32, #tpu.memory_space<vmem>>, vector<16xf32>,
        %mul3A_862 = arith.mulf %get3A_861, %select_n3A_683 : vector<16xf32>
        %swap3A_863 = arith.index_cast %squeeze3A_690 : i32 to index
        %swap3A_864 = arith.constant 384 : index
        %swap3A_865 = tpu.vector_load %arg7[%swap3A_863, %swap3A_864] {strides = array<i32>} : memref<35x640xf32, #tpu.memory_space<vmem>>, vector<16xf32>,
        tpu.vector_store %arg7[%swap3A_863, %swap3A_864], %mul3A_862 {add = true, strides = array<i32>} : memref<35x640xf32, #tpu.memory_space<vmem>>, vector<16xf32>,
        %get3A_866 = arith.index_cast %scan3A_474 : i32 to index
        %get3A_867 = arith.constant 400 : index
        %get3A_868 = tpu.vector_load %arg5[%get3A_866, %get3A_867] {strides = array<i32>} : memref<64x512xf32, #tpu.memory_space<vmem>>, vector<16xf32>,
        %mul3A_869 = arith.mulf %get3A_868, %select_n3A_683 : vector<16xf32>
        %swap3A_870 = arith.index_cast %squeeze3A_690 : i32 to index
        %swap3A_871 = arith.constant 400 : index
        %swap3A_872 = tpu.vector_load %arg7[%swap3A_870, %swap3A_871] {strides = array<i32>} : memref<35x640xf32, #tpu.memory_space<vmem>>, vector<16xf32>,
        tpu.vector_store %arg7[%swap3A_870, %swap3A_871], %mul3A_869 {add = true, strides = array<i32>} : memref<35x640xf32, #tpu.memory_space<vmem>>, vector<16xf32>,
        %get3A_873 = arith.index_cast %scan3A_474 : i32 to index
        %get3A_874 = arith.constant 416 : index
        %get3A_875 = tpu.vector_load %arg5[%get3A_873, %get3A_874] {strides = array<i32>} : memref<64x512xf32, #tpu.memory_space<vmem>>, vector<16xf32>,
        %mul3A_876 = arith.mulf %get3A_875, %select_n3A_683 : vector<16xf32>
        %swap3A_877 = arith.index_cast %squeeze3A_690 : i32 to index
        %swap3A_878 = arith.constant 416 : index
        %swap3A_879 = tpu.vector_load %arg7[%swap3A_877, %swap3A_878] {strides = array<i32>} : memref<35x640xf32, #tpu.memory_space<vmem>>, vector<16xf32>,
        tpu.vector_store %arg7[%swap3A_877, %swap3A_878], %mul3A_876 {add = true, strides = array<i32>} : memref<35x640xf32, #tpu.memory_space<vmem>>, vector<16xf32>,
        %get3A_880 = arith.index_cast %scan3A_474 : i32 to index
        %get3A_881 = arith.constant 432 : index
        %get3A_882 = tpu.vector_load %arg5[%get3A_880, %get3A_881] {strides = array<i32>} : memref<64x512xf32, #tpu.memory_space<vmem>>, vector<16xf32>,
        %mul3A_883 = arith.mulf %get3A_882, %select_n3A_683 : vector<16xf32>
        %swap3A_884 = arith.index_cast %squeeze3A_690 : i32 to index
        %swap3A_885 = arith.constant 432 : index
        %swap3A_886 = tpu.vector_load %arg7[%swap3A_884, %swap3A_885] {strides = array<i32>} : memref<35x640xf32, #tpu.memory_space<vmem>>, vector<16xf32>,
        tpu.vector_store %arg7[%swap3A_884, %swap3A_885], %mul3A_883 {add = true, strides = array<i32>} : memref<35x640xf32, #tpu.memory_space<vmem>>, vector<16xf32>,
        %get3A_887 = arith.index_cast %scan3A_474 : i32 to index
        %get3A_888 = arith.constant 448 : index
        %get3A_889 = tpu.vector_load %arg5[%get3A_887, %get3A_888] {strides = array<i32>} : memref<64x512xf32, #tpu.memory_space<vmem>>, vector<16xf32>,
        %mul3A_890 = arith.mulf %get3A_889, %select_n3A_683 : vector<16xf32>
        %swap3A_891 = arith.index_cast %squeeze3A_690 : i32 to index
        %swap3A_892 = arith.constant 448 : index
        %swap3A_893 = tpu.vector_load %arg7[%swap3A_891, %swap3A_892] {strides = array<i32>} : memref<35x640xf32, #tpu.memory_space<vmem>>, vector<16xf32>,
        tpu.vector_store %arg7[%swap3A_891, %swap3A_892], %mul3A_890 {add = true, strides = array<i32>} : memref<35x640xf32, #tpu.memory_space<vmem>>, vector<16xf32>,
        %get3A_894 = arith.index_cast %scan3A_474 : i32 to index
        %get3A_895 = arith.constant 464 : index
        %get3A_896 = tpu.vector_load %arg5[%get3A_894, %get3A_895] {strides = array<i32>} : memref<64x512xf32, #tpu.memory_space<vmem>>, vector<16xf32>,
        %mul3A_897 = arith.mulf %get3A_896, %select_n3A_683 : vector<16xf32>
        %swap3A_898 = arith.index_cast %squeeze3A_690 : i32 to index
        %swap3A_899 = arith.constant 464 : index
        %swap3A_900 = tpu.vector_load %arg7[%swap3A_898, %swap3A_899] {strides = array<i32>} : memref<35x640xf32, #tpu.memory_space<vmem>>, vector<16xf32>,
        tpu.vector_store %arg7[%swap3A_898, %swap3A_899], %mul3A_897 {add = true, strides = array<i32>} : memref<35x640xf32, #tpu.memory_space<vmem>>, vector<16xf32>,
        %get3A_901 = arith.index_cast %scan3A_474 : i32 to index
        %get3A_902 = arith.constant 480 : index
        %get3A_903 = tpu.vector_load %arg5[%get3A_901, %get3A_902] {strides = array<i32>} : memref<64x512xf32, #tpu.memory_space<vmem>>, vector<16xf32>,
        %mul3A_904 = arith.mulf %get3A_903, %select_n3A_683 : vector<16xf32>
        %swap3A_905 = arith.index_cast %squeeze3A_690 : i32 to index
        %swap3A_906 = arith.constant 480 : index
        %swap3A_907 = tpu.vector_load %arg7[%swap3A_905, %swap3A_906] {strides = array<i32>} : memref<35x640xf32, #tpu.memory_space<vmem>>, vector<16xf32>,
        tpu.vector_store %arg7[%swap3A_905, %swap3A_906], %mul3A_904 {add = true, strides = array<i32>} : memref<35x640xf32, #tpu.memory_space<vmem>>, vector<16xf32>,
        %get3A_908 = arith.index_cast %scan3A_474 : i32 to index
        %get3A_909 = arith.constant 496 : index
        %get3A_910 = tpu.vector_load %arg5[%get3A_908, %get3A_909] {strides = array<i32>} : memref<64x512xf32, #tpu.memory_space<vmem>>, vector<16xf32>,
        %mul3A_911 = arith.mulf %get3A_910, %select_n3A_683 : vector<16xf32>
        %swap3A_912 = arith.index_cast %squeeze3A_690 : i32 to index
        %swap3A_913 = arith.constant 496 : index
        %swap3A_914 = tpu.vector_load %arg7[%swap3A_912, %swap3A_913] {strides = array<i32>} : memref<35x640xf32, #tpu.memory_space<vmem>>, vector<16xf32>,
        tpu.vector_store %arg7[%swap3A_912, %swap3A_913], %mul3A_911 {add = true, strides = array<i32>} : memref<35x640xf32, #tpu.memory_space<vmem>>, vector<16xf32>,
        %mul3A_915 = arith.mulf %broadcast_in_dim3A_642, %select_n3A_683 : vector<16xf32>
        %mul3A_916 = arith.mulf %mul3A_915, %select_n3A_683 : vector<16xf32>
        %eq3A_917 = arith.constant 0 : i32
        %eq3A_918 = vector.broadcast %eq3A_917 : i32 to vector<16xi32>
        %eq3A_919 = arith.cmpi eq, %iota3A, %eq3A_918 : vector<16xi32>
        %eq3A_920 = arith.constant 1 : i32
        %eq3A_921 = vector.broadcast %eq3A_920 : i32 to vector<16xi32>
        %eq3A_922 = arith.cmpi eq, %iota3A, %eq3A_921 : vector<16xi32>
        %jit3A_923 = arith.constant 0.000000e+00 : f32
        %broadcast_in_dim3A_924 = vector.broadcast %jit3A_923 : f32 to vector<16xf32>
        %select_n3A_925 = arith.select %eq3A_922, %mul3A_916, %broadcast_in_dim3A_924 : vector<16xi1>, vector<16xf32>
        %jit3A_926 = arith.constant 1.000000e+00 : f32
        %broadcast_in_dim3A_927 = vector.broadcast %jit3A_926 : f32 to vector<16xf32>
        %select_n3A_928 = arith.select %eq3A_919, %broadcast_in_dim3A_927, %select_n3A_925 : vector<16xi1>, vector<16xf32>
        %swap3A_929 = arith.index_cast %squeeze3A_690 : i32 to index
        %swap3A_930 = arith.constant 512 : index
        %swap3A_931 = tpu.vector_load %arg7[%swap3A_929, %swap3A_930] {strides = array<i32>} : memref<35x640xf32, #tpu.memory_space<vmem>>, vector<16xf32>,
        tpu.vector_store %arg7[%swap3A_929, %swap3A_930], %select_n3A_928 {add = true, strides = array<i32>} : memref<35x640xf32, #tpu.memory_space<vmem>>, vector<16xf32>,
      }
      %scan3A_26 = arith.constant 64 : i32
    }
    %scan3A_16 = arith.constant 2 : i32
    "tpu.region"() ({
      %run_scoped3A = tpu.sem_alloc : memref<!tpu.dma_semaphore, #tpu.memory_space<semaphore_mem>>
      %dma_start3A = arith.constant 0 : i32
      %dma_start3A_17 = arith.constant 0 : i32
      %dma_start3A_18 = tpu.memref_slice %arg4[%add3A, %dma_start3A, %dma_start3A_17] : memref<32x35x640xf32, #tpu.memory_space<hbm>> -> memref<1x35x640xf32, #tpu.memory_space<hbm>>
      %dma_start3A_19 = tpu.memref_squeeze %dma_start3A_18 : memref<1x35x640xf32, #tpu.memory_space<hbm>> -> memref<35x640xf32, #tpu.memory_space<hbm>>
      %dma_start3A_20 = arith.constant 0 : i32
      %dma_start3A_21 = arith.constant 0 : i32
      %dma_start3A_22 = tpu.memref_slice %arg4[%add3A, %dma_start3A_20, %dma_start3A_21] : memref<32x35x640xf32, #tpu.memory_space<hbm>> -> memref<1x35x640xf32, #tpu.memory_space<hbm>>
      %dma_start3A_23 = tpu.memref_squeeze %dma_start3A_22 : memref<1x35x640xf32, #tpu.memory_space<hbm>> -> memref<35x640xf32, #tpu.memory_space<hbm>>
      tpu.enqueue_dma source(%arg7 : memref<35x640xf32, #tpu.memory_space<vmem>>) target(%dma_start3A_23 : memref<35x640xf32, #tpu.memory_space<hbm>>) target_semaphore(%run_scoped3A : memref<!tpu.dma_semaphore, #tpu.memory_space<semaphore_mem>>)
      %dma_wait3A = arith.constant 0 : i32
      %dma_wait3A_24 = arith.constant 0 : i32
      %dma_wait3A_25 = tpu.memref_slice %arg4[%add3A, %dma_wait3A, %dma_wait3A_24] : memref<32x35x640xf32, #tpu.memory_space<hbm>> -> memref<1x35x640xf32, #tpu.memory_space<hbm>>
      %dma_wait3A_26 = tpu.memref_squeeze %dma_wait3A_25 : memref<1x35x640xf32, #tpu.memory_space<hbm>> -> memref<35x640xf32, #tpu.memory_space<hbm>>
      %dma_wait3A_27 = arith.constant 0 : i32
      %dma_wait3A_28 = arith.constant 0 : i32
      %dma_wait3A_29 = tpu.memref_slice %arg4[%add3A, %dma_wait3A_27, %dma_wait3A_28] : memref<32x35x640xf32, #tpu.memory_space<hbm>> -> memref<1x35x640xf32, #tpu.memory_space<hbm>>
      %dma_wait3A_30 = tpu.memref_squeeze %dma_wait3A_29 : memref<1x35x640xf32, #tpu.memory_space<hbm>> -> memref<35x640xf32, #tpu.memory_space<hbm>>
      tpu.wait_dma2 semaphore(%run_scoped3A : memref<!tpu.dma_semaphore, #tpu.memory_space<semaphore_mem>>) src(%arg7 : memref<35x640xf32, #tpu.memory_space<vmem>>) dst(%dma_wait3A_30 : memref<35x640xf32, #tpu.memory_space<hbm>>)
      tpu.yield
    }) : () -> ()
    return
  }
}

module attributes {stable_mosaic.version = 14 : i64} {
  func.func @_fin_body(%arg0: memref<64x512xf32, #tpu.memory_space<vmem>>, %arg1: memref<64x128xf32, #tpu.memory_space<vmem>>, %arg2: memref<32x35x640xf32, #tpu.memory_space<vmem>>, %arg3: memref<1x1xf32, #tpu.memory_space<vmem>>) attributes {dimension_semantics = [], scalar_prefetch = 0 : i64, scratch_operands = 0 : i64, tpu.core_type = #tpu.core_type<tc>} {
    %get3A = arith.constant 0 : index
    %get3A_0 = arith.constant 0 : index
    %get3A_1 = arith.constant 0 : index
    %get3A_2 = vector.load %arg2[%get3A, %get3A_0, %get3A_1] : memref<32x35x640xf32, #tpu.memory_space<vmem>>, vector<32x35x640xf32>
    %reduce_sum3A = arith.constant dense<0.000000e+00> : vector<35x640xf32>
    %reduce_sum3A_3 = vector.multi_reduction <add>, %get3A_2, %reduce_sum3A [0] : vector<32x35x640xf32> to vector<35x640xf32>
    %get3A_4 = arith.constant 0 : index
    %get3A_5 = arith.constant 0 : index
    %get3A_6 = vector.load %arg0[%get3A_4, %get3A_5] : memref<64x512xf32, #tpu.memory_space<vmem>>, vector<35x512xf32>
    %slice3A = vector.extract_strided_slice %reduce_sum3A_3 {offsets = [0, 0], sizes = [35, 512], strides = [1, 1]} : vector<35x640xf32> to vector<35x512xf32>
    %add3A = arith.addf %get3A_6, %slice3A : vector<35x512xf32>
    %get3A_7 = arith.constant 0 : index
    %get3A_8 = arith.constant 0 : index
    %get3A_9 = vector.load %arg1[%get3A_7, %get3A_8] : memref<64x128xf32, #tpu.memory_space<vmem>>, vector<35x1xf32>
    %slice3A_10 = vector.extract_strided_slice %reduce_sum3A_3 {offsets = [0, 512], sizes = [35, 1], strides = [1, 1]} : vector<35x640xf32> to vector<35x1xf32>
    %add3A_11 = arith.addf %get3A_9, %slice3A_10 : vector<35x1xf32>
    %get3A_12 = arith.constant 0 : index
    %get3A_13 = arith.constant 1 : index
    %get3A_14 = vector.load %arg1[%get3A_12, %get3A_13] : memref<64x128xf32, #tpu.memory_space<vmem>>, vector<35x1xf32>
    %slice3A_15 = vector.extract_strided_slice %reduce_sum3A_3 {offsets = [0, 513], sizes = [35, 1], strides = [1, 1]} : vector<35x640xf32> to vector<35x1xf32>
    %add3A_16 = arith.addf %get3A_14, %slice3A_15 : vector<35x1xf32>
    %mul3A = arith.mulf %add3A, %add3A : vector<35x512xf32>
    %reduce_sum3A_17 = arith.constant dense<0.000000e+00> : vector<35xf32>
    %reduce_sum3A_18 = vector.multi_reduction <add>, %mul3A, %reduce_sum3A_17 [1] : vector<35x512xf32> to vector<35xf32>
    %broadcast_in_dim3A = vector.shape_cast %reduce_sum3A_18 : vector<35xf32> to vector<35x1xf32>
    %max3A = arith.constant 1.000000e+00 : f32
    %max3A_19 = vector.broadcast %max3A : f32 to vector<35x1xf32>
    %max3A_20 = arith.maximumf %add3A_11, %max3A_19 : vector<35x1xf32>
    %gt3A = arith.constant 0.000000e+00 : f32
    %gt3A_21 = vector.broadcast %gt3A : f32 to vector<35x1xf32>
    %gt3A_22 = arith.cmpf ogt, %add3A_11, %gt3A_21 : vector<35x1xf32>
    %div3A = arith.divf %broadcast_in_dim3A, %max3A_20 : vector<35x1xf32>
    %sub3A = arith.subf %add3A_16, %div3A : vector<35x1xf32>
    %div3A_23 = arith.divf %sub3A, %max3A_20 : vector<35x1xf32>
    %jit3A = arith.constant 0.000000e+00 : f32
    %broadcast_in_dim3A_24 = vector.broadcast %jit3A : f32 to vector<35x1xf32>
    %select_n3A = arith.select %gt3A_22, %div3A_23, %broadcast_in_dim3A_24 : vector<35x1xi1>, vector<35x1xf32>
    %reduce_sum3A_25 = vector.shape_cast %select_n3A : vector<35x1xf32> to vector<1x35x1xf32>
    %reduce_sum3A_26 = arith.constant dense<0.000000e+00> : vector<1xf32>
    %reduce_sum3A_27 = vector.multi_reduction <add>, %reduce_sum3A_25, %reduce_sum3A_26 [1, 2] : vector<1x35x1xf32> to vector<1xf32>
    %reduce_sum3A_28 = vector.shape_cast %reduce_sum3A_27 : vector<1xf32> to vector<1x1x1xf32>
    %reduce_sum3A_29 = vector.extract %reduce_sum3A_28[0, 0, 0] : f32 from vector<1x1x1xf32>
    %broadcast_in_dim3A_30 = vector.broadcast %reduce_sum3A_29 : f32 to vector<1x1xf32>
    %mul3A_31 = arith.constant 2.000000e-01 : f32
    %mul3A_32 = vector.broadcast %mul3A_31 : f32 to vector<1x1xf32>
    %mul3A_33 = arith.mulf %mul3A_32, %broadcast_in_dim3A_30 : vector<1x1xf32>
    %swap3A = arith.constant 0 : index
    %swap3A_34 = arith.constant 0 : index
    %swap3A_35 = vector.load %arg3[%swap3A, %swap3A_34] : memref<1x1xf32, #tpu.memory_space<vmem>>, vector<1x1xf32>
    tpu.vector_store %arg3[%swap3A, %swap3A_34], %mul3A_33 {strides = array<i32>} : memref<1x1xf32, #tpu.memory_space<vmem>>, vector<1x1xf32>,
    return
  }
}

module attributes {stable_mosaic.version = 14 : i64} {
  func.func @_tc_body(%arg0: i32, %arg1: memref<2048x512xf32, #tpu.memory_space<vmem>>, %arg2: memref<1x1x2048xi32, #tpu.memory_space<vmem>>, %arg3: memref<64x512xf32, #tpu.memory_space<vmem>>, %arg4: memref<64x128xf32, #tpu.memory_space<vmem>>) attributes {dimension_semantics = [#tpu.dimension_semantics<arbitrary>], iteration_bounds = array<i64: 6>, scalar_prefetch = 0 : i64, scratch_operands = 0 : i64, tpu.core_type = #tpu.core_type<tc>, window_params = [{transform_indices = @transform_0, window_bounds = array<i64: 2048, 512>}, {transform_indices = @transform_1, window_bounds = array<i64: 1, 1, 2048>}, {pipeline_mode = #tpu.pipeline_mode<synchronous>, transform_indices = @transform_2, window_bounds = array<i64: 64, 512>}, {pipeline_mode = #tpu.pipeline_mode<synchronous>, transform_indices = @transform_3, window_bounds = array<i64: 64, 128>}]} {
    %eq3A = arith.constant 0 : i32
    %eq3A_0 = arith.cmpi eq, %arg0, %eq3A : i32
    %convert_element_type3A = arith.extui %eq3A_0 : i1 to i32
    %cond3A = arith.constant 0 : i32
    %cond3A_1 = arith.cmpi ne, %convert_element_type3A, %cond3A : i32
    scf.if %cond3A_1 {
      %broadcast_in_dim3A_53 = arith.constant 0.000000e+00 : f32
      %broadcast_in_dim3A_54 = vector.broadcast %broadcast_in_dim3A_53 : f32 to vector<64x512xf32>
      %swap3A_55 = arith.constant 0 : index
      %swap3A_56 = arith.constant 0 : index
      %swap3A_57 = vector.load %arg3[%swap3A_55, %swap3A_56] : memref<64x512xf32, #tpu.memory_space<vmem>>, vector<64x512xf32>
      tpu.vector_store %arg3[%swap3A_55, %swap3A_56], %broadcast_in_dim3A_54 {strides = array<i32>} : memref<64x512xf32, #tpu.memory_space<vmem>>, vector<64x512xf32>,
      %broadcast_in_dim3A_58 = arith.constant 0.000000e+00 : f32
      %broadcast_in_dim3A_59 = vector.broadcast %broadcast_in_dim3A_58 : f32 to vector<64x128xf32>
      %swap3A_60 = arith.constant 0 : index
      %swap3A_61 = arith.constant 0 : index
      %swap3A_62 = vector.load %arg4[%swap3A_60, %swap3A_61] : memref<64x128xf32, #tpu.memory_space<vmem>>, vector<64x128xf32>
      tpu.vector_store %arg4[%swap3A_60, %swap3A_61], %broadcast_in_dim3A_59 {strides = array<i32>} : memref<64x128xf32, #tpu.memory_space<vmem>>, vector<64x128xf32>,
    } else {
    }
    %get3A = arith.constant 0 : index
    %get3A_2 = arith.constant 0 : index
    %get3A_3 = vector.load %arg1[%get3A, %get3A_2] : memref<2048x512xf32, #tpu.memory_space<vmem>>, vector<2048x512xf32>
    %mul3A = arith.mulf %get3A_3, %get3A_3 : vector<2048x512xf32>
    %reduce_sum3A = arith.constant dense<0.000000e+00> : vector<2048xf32>
    %reduce_sum3A_4 = vector.multi_reduction <add>, %mul3A, %reduce_sum3A [1] : vector<2048x512xf32> to vector<2048xf32>
    %broadcast_in_dim3A = vector.shape_cast %reduce_sum3A_4 : vector<2048xf32> to vector<2048x1xf32>
    %sqrt3A = math.sqrt %broadcast_in_dim3A : vector<2048x1xf32>
    %max3A = arith.constant 9.99999996E-13 : f32
    %max3A_5 = vector.broadcast %max3A : f32 to vector<2048x1xf32>
    %max3A_6 = arith.maximumf %sqrt3A, %max3A_5 : vector<2048x1xf32>
    %div3A = arith.constant 1.000000e+00 : f32
    %div3A_7 = vector.broadcast %div3A : f32 to vector<2048x1xf32>
    %div3A_8 = arith.divf %div3A_7, %max3A_6 : vector<2048x1xf32>
    %get3A_9 = arith.constant 0 : index
    %get3A_10 = arith.constant 0 : index
    %get3A_11 = arith.constant 0 : index
    %get3A_12 = vector.load %arg2[%get3A_9, %get3A_10, %get3A_11] : memref<1x1x2048xi32, #tpu.memory_space<vmem>>, vector<1x1x2048xi32>
    %get3A_13 = vector.shape_cast %get3A_12 : vector<1x1x2048xi32> to vector<2048xi32>
    %iota3A = tpu.iota {dimensions = array<i32: 1>} : vector<2048x64xi32>
    %broadcast_in_dim3A_14 = vector.shape_cast %get3A_13 : vector<2048xi32> to vector<2048x1xi32>
    %eq3A_15 = vector.broadcast %broadcast_in_dim3A_14 : vector<2048x1xi32> to vector<2048x64xi32>
    %eq3A_16 = arith.cmpi eq, %eq3A_15, %iota3A : vector<2048x64xi32>
    %convert_element_type3A_17 = arith.extui %eq3A_16 : vector<2048x64xi1> to vector<2048x64xi32>
    %convert_element_type3A_18 = arith.sitofp %convert_element_type3A_17 : vector<2048x64xi32> to vector<2048x64xf32>
    %mul3A_19 = vector.broadcast %div3A_8 : vector<2048x1xf32> to vector<2048x64xf32>
    %mul3A_20 = arith.mulf %convert_element_type3A_18, %mul3A_19 : vector<2048x64xf32>
    %convert_element_type3A_21 = arith.truncf %mul3A_20 : vector<2048x64xf32> to vector<2048x64xbf16>
    %get3A_22 = arith.constant 0 : index
    %get3A_23 = arith.constant 0 : index
    %get3A_24 = vector.load %arg3[%get3A_22, %get3A_23] : memref<64x512xf32, #tpu.memory_space<vmem>>, vector<64x512xf32>
    %convert_element_type3A_25 = arith.truncf %get3A_3 : vector<2048x512xf32> to vector<2048x512xbf16>
    %dot_general3A = arith.constant dense<0.000000e+00> : vector<64x512xf32>
    %dot_general3A_26 = tpu.matmul %convert_element_type3A_21, %convert_element_type3A_25, %dot_general3A {dimension_numbers = #tpu.dot_dimension_numbers<[0], [0], [1], [1], [0, 1, 1, 1], [], []>, transpose_lhs_hint = false} : vector<2048x64xbf16>, vector<2048x512xbf16>, vector<64x512xf32> -> vector<64x512xf32>
    %add3A = arith.addf %get3A_24, %dot_general3A_26 : vector<64x512xf32>
    %swap3A = arith.constant 0 : index
    %swap3A_27 = arith.constant 0 : index
    %swap3A_28 = vector.load %arg3[%swap3A, %swap3A_27] : memref<64x512xf32, #tpu.memory_space<vmem>>, vector<64x512xf32>
    tpu.vector_store %arg3[%swap3A, %swap3A_27], %add3A {strides = array<i32>} : memref<64x512xf32, #tpu.memory_space<vmem>>, vector<64x512xf32>,
    %iota3A_29 = tpu.iota {dimensions = array<i32: 1>} : vector<2048x128xi32>
    %eq3A_30 = arith.constant 0 : i32
    %eq3A_31 = vector.broadcast %eq3A_30 : i32 to vector<2048x128xi32>
    %eq3A_32 = arith.cmpi eq, %iota3A_29, %eq3A_31 : vector<2048x128xi32>
    %eq3A_33 = arith.constant 1 : i32
    %eq3A_34 = vector.broadcast %eq3A_33 : i32 to vector<2048x128xi32>
    %eq3A_35 = arith.cmpi eq, %iota3A_29, %eq3A_34 : vector<2048x128xi32>
    %mul3A_36 = arith.mulf %broadcast_in_dim3A, %div3A_8 : vector<2048x1xf32>
    %mul3A_37 = arith.mulf %mul3A_36, %div3A_8 : vector<2048x1xf32>
    %jit3A = arith.constant 0.000000e+00 : f32
    %broadcast_in_dim3A_38 = vector.shape_cast %mul3A_37 : vector<2048x1xf32> to vector<2048x1xf32>
    %broadcast_in_dim3A_39 = vector.broadcast %broadcast_in_dim3A_38 : vector<2048x1xf32> to vector<2048x128xf32>
    %broadcast_in_dim3A_40 = vector.broadcast %jit3A : f32 to vector<2048x128xf32>
    %select_n3A = arith.select %eq3A_35, %broadcast_in_dim3A_39, %broadcast_in_dim3A_40 : vector<2048x128xi1>, vector<2048x128xf32>
    %jit3A_41 = arith.constant 1.000000e+00 : f32
    %broadcast_in_dim3A_42 = vector.broadcast %jit3A_41 : f32 to vector<2048x128xf32>
    %select_n3A_43 = arith.select %eq3A_32, %broadcast_in_dim3A_42, %select_n3A : vector<2048x128xi1>, vector<2048x128xf32>
    %get3A_44 = arith.constant 0 : index
    %get3A_45 = arith.constant 0 : index
    %get3A_46 = vector.load %arg4[%get3A_44, %get3A_45] : memref<64x128xf32, #tpu.memory_space<vmem>>, vector<64x128xf32>
    %dot_general3A_47 = arith.constant dense<0.000000e+00> : vector<64x128xf32>
    %dot_general3A_48 = tpu.matmul %convert_element_type3A_18, %select_n3A_43, %dot_general3A_47 {dimension_numbers = #tpu.dot_dimension_numbers<[0], [0], [1], [1], [0, 1, 1, 1], [], []>, transpose_lhs_hint = false} : vector<2048x64xf32>, vector<2048x128xf32>, vector<64x128xf32> -> vector<64x128xf32>
    %add3A_49 = arith.addf %get3A_46, %dot_general3A_48 : vector<64x128xf32>
    %swap3A_50 = arith.constant 0 : index
    %swap3A_51 = arith.constant 0 : index
    %swap3A_52 = vector.load %arg4[%swap3A_50, %swap3A_51] : memref<64x128xf32, #tpu.memory_space<vmem>>, vector<64x128xf32>
    tpu.vector_store %arg4[%swap3A_50, %swap3A_51], %add3A_49 {strides = array<i32>} : memref<64x128xf32, #tpu.memory_space<vmem>>, vector<64x128xf32>,
    return
  }
  func.func @transform_0(%arg0: i32) -> (i32, i32) {
    %c0_i32 = arith.constant 0 : i32
    %c0_i32_0 = arith.constant 0 : i32
    return %arg0, %c0_i32 : i32, i32
  }
  func.func @transform_1(%arg0: i32) -> (i32, i32, i32) {
    %c0_i32 = arith.constant 0 : i32
    %c0_i32_0 = arith.constant 0 : i32
    %c0_i32_1 = arith.constant 0 : i32
    return %arg0, %c0_i32, %c0_i32_0 : i32, i32, i32
  }
  func.func @transform_2(%arg0: i32) -> (i32, i32) {
    %c0_i32 = arith.constant 0 : i32
    %c0_i32_0 = arith.constant 0 : i32
    %c0_i32_1 = arith.constant 0 : i32
    return %c0_i32, %c0_i32_0 : i32, i32
  }
  func.func @transform_3(%arg0: i32) -> (i32, i32) {
    %c0_i32 = arith.constant 0 : i32
    %c0_i32_0 = arith.constant 0 : i32
    %c0_i32_1 = arith.constant 0 : i32
    return %c0_i32, %c0_i32_0 : i32, i32
  }
}

</mosaic_0001>

<sc_bundles>
// kernel: kernel.5.cloned.1.call-start
scs
__scs_entry_jumppad:
0x0: {  	(pc) =	sbr.rel $0x88, $3  }
0x1: {  	(tag) =	ssettag $0x0;
	lr =	simm.s32 $0x1  }
0x2: {  	[smem:$0x3F9F] =	sst lr;
	_ =	strace $0xD0000000  }
0x3: {  	_ = 	snop  }
0x4: {  	_ = 	snop  }
0x5: {  	_ = 	snop  }
0x6: {  	_ = 	snop  }
0x7: {  	_ = 	snop  }
__scs_overlays_trampoline_lowered:
0x8: {  	[smem:$0x3FAE] =	sst s0  }
0x9: {  	[smem:$0x3FAF] =	sst s1  }
0xa: {  	[smem:$0x3FB0] =	sst s2  }
0xb: {  	[smem:$0x3FB1] =	sst s3  }
0xc: {  	[smem:$0x3FB2] =	sst s4  }
0xd: {  	[smem:$0x3FB3] =	sst s5  }
0xe: {  	[smem:$0x3FB4] =	sst s6  }
0xf: {  	[smem:$0x3FB5] =	sst s7  }
0x10: {  	[smem:$0x3FB6] =	sst s8  }
0x11: {  	[smem:$0x3FB7] =	sst s9;
	s0 =	simm.s32 @!p0 $0x0  }
0x12: {  	s1 =	sld [smem:$0x3F9D];
	s0 =	simm.s32 @p0 $0x1  }
0x13: {  	[smem:$0x3FB8] =	sst s0;
	s0 =	simm.s32 @!p1 $0x0  }
0x14: {  	s2 =	sld [smem:$0x3F9C];
	s0 =	simm.s32 @p1 $0x1  }
0x15: {  	[smem:$0x3FB9] =	sst s0;
	s0 =	simm.s32 @!p2 $0x0  }
0x16: {  	s3 =	sld [smem:$0x3FDB];
	s0 =	simm.s32 @p2 $0x1  }
0x17: {  	s4 =	simm.s32 $0x1BF5;
	[smem:$0x3FBB] =	sst s0  }
0x18: {  	s0 =	sld [smem:$0x3F9E];
	_ =	swait.ge [sflag:s4], $0x0  }
0x19: {  	s7 =	sld [smem:$0x3F9F]  }
0x1a: {  	s8 =	sadd.s32 $0xFFFFE003, lr  }
0x1b: {  	s9 =	sadd.s32 $0xFFFFFEF7, lr;
	s5 =	simm.s32 $0xFFFFFFFF;
	p2 =	slt.u32 s8, $0xFFFFF086  }
0x1c: {  	p1 =	slt.u32 s9, $0xF7A;
	s5 =	simm.s32 @!p2 $0x0  }
0x1d: {  	s5 =	simm.s32 @p1 $0x1;
	p0 =	seq.s32 s7, s2  }
0x1e: {  	s7 =	smul.u32 @!p0 $0xF7A, s2;
	p2 =	seq.s32 @!p0 s5, $0x0  }
0x1f: {  	s9 =	smul.u32 $0xF7A, s1;
	s8 =	simm.s32 @!p0 $0x1BF5;
	p2 =	por !p2, p0  }
0x20: {  	[sflag:s8] =	ssyncset.s32 @!p0 $0xFFFFF086;
	s6 =	sadd.s32 @!p0 s3, s7;
	s7 =	simm.s32 @!p0 $0x108  }
0x21: {  	s3 =	sadd.s32 s3, s9;
	s6 =	sadd.s32 @!p0 $0x88, s6;
	s7 =	simm.s32 @p2 $0x1082  }
0x22: {  	[simem:s7], [sflag:s8] =	dma.local @!p0 [hbm:s6], $0xF7A  }
0x23: {  	s9 =	sor.u32 $0xD0000000, s2;
	s6 =	simm.s32 $0x108;
	_ =	swait.ge @!p0 [sflag:s8], $0x0  }
0x24: {  	s3 =	sadd.s32 $0x88, s3;
	s6 =	simm.s32 @!p1 $0x1082;
	[sflag:s4] =	ssyncset.s32 $0xFFFFF086  }
0x25: {  	[simem:s6], [sflag:s4] =	dma.local [hbm:s3], $0xF7A  }
0x26: {  	[smem:$0x3F9F] =	sst s1;
	(tag) =	ssettag s2;
	_ =	strace s9  }
0x27: {  	s1 =	sld [smem:$0x3FAF]  }
0x28: {  	s2 =	sld [smem:$0x3FB0]  }
0x29: {  	s4 =	sld [smem:$0x3FB2]  }
0x2a: {  	p0 =	seq.s32 s5, $0x0;
	s5 =	sld [smem:$0x3FB3]  }
0x2b: {  	s6 =	sld [smem:$0x3FB4]  }
0x2c: {  	s7 =	sld [smem:$0x3FB5]  }
0x2d: {  	s3 =	simm.s32 $0x108;
	s8 =	sld [smem:$0x3FB6]  }
0x2e: {  	s3 =	simm.s32 @!p0 $0x1082;
	s9 =	sld [smem:$0x3FB7]  }
0x2f: {  	lr =	sadd.s32 s0, s3;
	s0 =	sld [smem:$0x3FAE]  }
0x30: {  	s3 =	sld [smem:$0x3FB1]  }
0x31: {  	[smem:$0x3FBA] =	sst s10  }
0x32: {  	s10 =	sld [smem:$0x3FB8];
	_ =	sdelay $0x3  }
0x33: {  	p0 =	seq.s32 s10, $0x1;
	s10 =	sld [smem:$0x3FBA];
	_ =	sdelay $0x3  }
0x34: {  	[smem:$0x3FBA] =	sst s10  }
0x35: {  	s10 =	sld [smem:$0x3FB9];
	_ =	sdelay $0x3  }
0x36: {  	p1 =	seq.s32 s10, $0x1;
	s10 =	sld [smem:$0x3FBA];
	_ =	sdelay $0x3  }
0x37: {  	[smem:$0x3FBA] =	sst s10  }
0x38: {  	s10 =	sld [smem:$0x3FBB]  }
0x39: {  	_ = 	snop;
	(pc) =	sbr.ind lr, $3  }
0x3a: {  	_ = 	snop  }
0x3b: {  	_ = 	snop  }
0x3c: {  	p2 =	seq.s32 s10, $0x1;
	s10 =	sld [smem:$0x3FBA]  }
0x3d: {  	_ =	shalt  }
0x3e: {  	_ =	shalt  }
0x3f: {  	_ =	shalt  }
0x40: {  	_ =	shalt  }
0x41: {  	_ =	shalt  }
0x42: {  	_ =	shalt  }
0x43: {  	_ =	shalt  }
0x44: {  	_ =	shalt  }
0x45: {  	_ =	shalt  }
0x46: {  	_ =	shalt  }
0x47: {  	_ =	shalt  }
0x48: {  	_ =	shalt  }
0x49: {  	_ =	shalt  }
0x4a: {  	_ =	shalt  }
0x4b: {  	_ =	shalt  }
0x4c: {  	_ =	shalt  }
0x4d: {  	_ =	shalt  }
0x4e: {  	_ =	shalt  }
0x4f: {  	_ =	shalt  }
0x50: {  	_ =	shalt  }
0x51: {  	_ =	shalt  }
0x52: {  	_ =	shalt  }
0x53: {  	_ =	shalt  }
0x54: {  	_ =	shalt  }
0x55: {  	_ =	shalt  }
0x56: {  	_ =	shalt  }
0x57: {  	_ =	shalt  }
0x58: {  	_ =	shalt  }
0x59: {  	_ =	shalt  }
0x5a: {  	_ =	shalt  }
0x5b: {  	_ =	shalt  }
0x5c: {  	_ =	shalt  }
0x5d: {  	_ =	shalt  }
0x5e: {  	_ =	shalt  }
0x5f: {  	_ =	shalt  }
0x60: {  	_ =	shalt  }
0x61: {  	_ =	shalt  }
0x62: {  	_ =	shalt  }
0x63: {  	_ =	shalt  }
0x64: {  	_ =	shalt  }
0x65: {  	_ =	shalt  }
0x66: {  	_ =	shalt  }
0x67: {  	_ =	shalt  }
0x68: {  	_ =	shalt  }
0x69: {  	_ =	shalt  }
0x6a: {  	_ =	shalt  }
0x6b: {  	_ =	shalt  }
0x6c: {  	_ =	shalt  }
0x6d: {  	_ =	shalt  }
0x6e: {  	_ =	shalt  }
0x6f: {  	_ =	shalt  }
0x70: {  	_ =	shalt  }
0x71: {  	_ =	shalt  }
0x72: {  	_ =	shalt  }
0x73: {  	_ =	shalt  }
0x74: {  	_ =	shalt  }
0x75: {  	_ =	shalt  }
0x76: {  	_ =	shalt  }
0x77: {  	_ =	shalt  }
0x78: {  	_ =	shalt  }
0x79: {  	_ =	shalt  }
0x7a: {  	_ =	shalt  }
0x7b: {  	_ =	shalt  }
0x7c: {  	_ =	shalt  }
0x7d: {  	_ =	shalt  }
0x7e: {  	_ =	shalt  }
0x7f: {  	_ =	shalt  }
0x80: {  	_ =	shalt  }
0x81: {  	_ =	shalt  }
0x82: {  	_ =	shalt  }
0x83: {  	_ =	shalt  }
0x84: {  	_ =	shalt  }
0x85: {  	_ =	shalt  }
0x86: {  	_ =	shalt  }
0x87: {  	_ =	shalt  }
.Lfunc_end0:
.L_simem_size_0:
called_computation_lowered:
.L_overlay_start_0:
0x88: {  	s2 =	sld [smem:$0x3FD9]  }
0x89: {  	s3 =	sld [smem:$0x3FFE];
	_ =	sdelay $0x1  }
0x8a: {  	s1 =	srdreg.scid  }
0x8b: {  	s0 =	sand.u32 $0x1, s1  }
0x8c: {  	s17 =	sshll.u32 s0, $0xA;
	s2 =	sadd.s32 s3, s2  }
0x8d: {  	s2 =	sadd.s32 s2, s17  }
0x8e: {  	[smem:$0x3FC6] =	sst s2  }
0x8f: {  	_ = 	snop  }
0x90: {  	s2 =	sld [smem:$0x3FC9]  }
0x91: {  	s18 =	sld [smem:$0x3FC8];
	(tm) =	ssettm $0x1  }
0x92: {  	s4 =	sld [smem:$0x3FFB];
	_ =	sdelay $0x3  }
0x93: {  	_ =	strace s4  }
0x94: {  	s4 =	sld [smem:$0x3FFC];
	_ =	sdelay $0x3  }
0x95: {  	_ =	strace s4  }
0x96: {  	s4 =	sld [smem:$0x3FFD];
	_ =	sdelay $0x3  }
0x97: {  	_ =	strace s4  }
0x98: {  	_ =	strace $0x8FFFFFFF  }
0x99: {  	s19 =	sld [smem:$0x3FDB];
	_ =	sdelay $0x1  }
0x9a: {  	s5 =	simm.s32 $_scs_section_size  }
0x9b: {  	s6 =	simm.s32 $_size__tile_overlayer_lowered;
	s7 =	simm.s32 $_tile_overlayer_lowered  }
0x9c: {  	s22 =	simm.s32 $0x1BFF;
	s21 =	sshll.u32 s7, $0x1;
	s4 =	sadd.s32 s5, s19  }
0x9d: {  	s8 =	simm.s32 $0x0;
	s20 =	sshll.u32 s6, $0x1;
	s6 =	sadd.s32 s21, s4  }
0x9e: {  	[timem:s8], [sflag:s22] =	dma.local [hbm:s6], s20  }
0x9f: {  	_ =	swait.ge [sflag:s22], s20  }
0xa0: {  	s5 =	ssub.s32 $0x0, s20;
	[sflag:s22] =	ssyncset.done $0x0  }
0xa1: {  	[sflag:s22] =	ssyncadd.s32 s5;
	_ =	sdelay $0x1  }
0xa2: {  	s23 =	simm.s32 $0x1B8B  }
0xa3: {  	_ =	swait.ge [sflag:s23], $0x1  }
0xa4: {  	[sflag:s23] =	ssyncset.done $0x0  }
0xa5: {  	s25 =	simm.s32 $0x1B8E;
	s24 =	sld [smem:$0x3FFE];
	[sflag:s23] =	ssyncadd.s32 $0xFFFFFFFF  }
0xa6: {  	s26 =	simm.s32 $execute0_lowered;
	[smem:$0x3FD2] =	sst s25  }
0xa7: {  	s6 =	sshll.u32 s26, $0x1;
	_ =	strace $0x80000046;
	[dreg:$0x1] =	wrdreg $0xFFFFFFFF  }
0xa8: {  	s28 =	simm.s32 $_size_execute0_lowered;
	s4 =	sadd.s32 s4, s6;
	[dreg:$0x0] =	wrdreg $0x0  }
0xa9: {  	s6 =	sshll.u32 s28, $0x1;
	[dreg:$0x2] =	wrdreg s4  }
0xaa: {  	[dreg:$0x3] =	wrdreg s6  }
0xab: {  	[dreg:$0x4] =	wrdreg $0xC0  }
0xac: {  	_ =	task [dreg:s8], $0x5FFFF  }
0xad: {  	[dreg:$0x1] =	wrdreg $0xFFFFFFFF  }
0xae: {  	[dreg:$0x0] =	wrdreg $0x60  }
0xaf: {  	[dreg:$0x2] =	wrdreg s2  }
0xb0: {  	[dreg:$0x3] =	wrdreg s18  }
0xb1: {  	[dreg:$0x4] =	wrdreg s24  }
0xb2: {  	[dreg:$0x5] =	wrdreg $0x9  }
0xb3: {  	_ =	task.clear_ibuf [dreg:s8], $0x6FFFF;
	_ =	strace $0x90000046  }
0xb4: {  	s29 =	simm.s32 $0x9;
	_ =	strace $0x80000048  }
0xb5: {  	_ =	swait.ge [sflag:s29], $0x1  }
0xb6: {  	[sflag:s29] =	ssyncadd.s32 $0xFFFFFFFF  }
0xb7: {  	_ =	strace $0x90000048  }
0xb8: {  	_ =	sfence  }
0xb9: {  	s30 =	sld [smem:$0x0];
	_ =	sdelay $0x2  }
0xba: {  	s31 =	sshll.u32 s1, $0xD;
	s1 =	sshrl.u32 s1, $0x2  }
0xbb: {  	s3 =	sand.u32 $0x4000, s31;
	s1 =	sadd.s32 s1, s30  }
0xbc: {  	s0 =	sor.u32 s3, s0;
	s1 =	sshll.u32 s1, $0x11  }
0xbd: {  	s0 =	sor.u32 s1, s0  }
0xbe: {  	s0 =	sadd.s32 $0x8F2B, s0  }
0xbf: {  	[sflag:s0] =	ssyncadd.remote.s32 $0x1  }
0xc0: {  	_ =	sfence.sel $0xFFFF  }
0xc1: {  	[dreg:$0x0] =	wrdreg $0xFFFFFFFF;
	(pc) =	sbr.abs _section_cstart, $3  }
0xc2: {  	[dreg:$0x1] =	wrdreg $0xFFFFFFFF  }
0xc3: {  	_ =	task.clear_ibuf [dreg:s8], $0x2FFFF;
	_ =	strace $0x9FFFFFFF  }
0xc4: {  	(tm) =	ssettm $0x7FFFFFFF  }
0xc5: {  	_ =	shalt  }
tec
execute0_lowered:
.L_overlay_start_1:
0x0: {  	(tag) =	ssettag $0x1  }
0x1: {  	s1 =	rddreg [dreg:$0x0]  }
0x2: {  	s5 =	rddreg [dreg:$0x1];
	s2 =	srdreg.scid  }
0x3: {  	s0 =	stileid.u32;
	s6 =	rddreg [dreg:$0x2]  }
0x4: {  	s3 =	simm.s32 $0x0;
	s4 =	sand.u32 $0x1, s2;
	s7 =	sshll.u32 s0, $0x1  }
0x5: {  	s11 =	simm.s32 $0x0;
	[smem:$0x7FF] =	sst s3;
	s7 =	sor.u32 s4, s7  }
0x6: {  	s9 =	ssub.s32 $0x2, s4;
	_ =	strace $0x80000047;
	s8 =	sshll.u32 s7, $0x7  }
0x7: {  	s7 =	smul.u32 $0xC80, s7;
	s30 =	sshrl.u32 s9, $0x1;
	s4 =	sor.u32 $0x3000, s8  }
0x8: {  	s31 =	ssub.s32 s9, s30;
	s8 =	simm.s32 $0x8000;
	s9 =	simm.s32 $0x1  }
0x9: {  	s10 =	sshrl.u32 s4, $0x3;
	s6 =	sadd.s32 s7, s6;
	s7 =	smax.u32 s31, $0x1  }
0xa: {  	v0 =	vimm.f32 $0.0e+00;
	vm0 =	vcmask $0x3F08;
	v1 =	vlaneseq.u32;
	s5 =	sadd.s32 s5, s10;
	s6 =	sadd.s32 $0xA00, s6;
	s10 =	simm.s32 $0x8100  }
.LBB2_1:
0xb: {  	[tilespmem:s8], [sflag:$0x1] =	stream.linear.gather [hbm4b:s5+s3], $0x80, $0x38;
	[tilespmem:$0xE500] =	vst v63  }
0xc: {  	s12 =	simm.s32 $0x0  }
0xd: {  	s12 =	smul.u32 $0x5000, s12  }
0xe: {  	_ =	swait.ge [sflag:s9], $0x80  }
0xf: {  	s13 =	sand.u32 $0x380, s3;
	[sflag:s9] =	ssyncset.done $0x0;
	s12 =	sshra.s32 s12, $0x2  }
0x10: {  	[sflag:s9] =	ssyncadd.s32 $0xFFFFFF80;
	s12 =	sor.u32 s13, s12  }
0x11: {  	[tilespmem:s12+$0x9170] =	vst v0  }
0x12: {  	[tilespmem:s12+$0x8100] =	vst v0  }
0x13: {  	[tilespmem:s12+$0x8110] =	vst v0  }
0x14: {  	[tilespmem:s12+$0x8120] =	vst v0  }
0x15: {  	[tilespmem:s12+$0x8130] =	vst v0  }
0x16: {  	[tilespmem:s12+$0x8140] =	vst v0  }
0x17: {  	[tilespmem:s12+$0x8150] =	vst v0  }
0x18: {  	[tilespmem:s12+$0x8160] =	vst v0  }
0x19: {  	[tilespmem:s12+$0x8170] =	vst v0  }
0x1a: {  	[tilespmem:s12+$0x8500] =	vst v0  }
0x1b: {  	[tilespmem:s12+$0x8510] =	vst v0  }
0x1c: {  	[tilespmem:s12+$0x8520] =	vst v0  }
0x1d: {  	[tilespmem:s12+$0x8530] =	vst v0  }
0x1e: {  	[tilespmem:s12+$0x8540] =	vst v0  }
0x1f: {  	[tilespmem:s12+$0x8550] =	vst v0  }
0x20: {  	[tilespmem:s12+$0x8560] =	vst v0  }
0x21: {  	[tilespmem:s12+$0x8570] =	vst v0  }
0x22: {  	[tilespmem:s12+$0x8900] =	vst v0  }
0x23: {  	[tilespmem:s12+$0x8910] =	vst v0  }
0x24: {  	[tilespmem:s12+$0x8920] =	vst v0  }
0x25: {  	[tilespmem:s12+$0x8930] =	vst v0  }
0x26: {  	[tilespmem:s12+$0x8940] =	vst v0  }
0x27: {  	[tilespmem:s12+$0x8950] =	vst v0  }
0x28: {  	[tilespmem:s12+$0x8960] =	vst v0  }
0x29: {  	[tilespmem:s12+$0x8970] =	vst v0  }
0x2a: {  	[tilespmem:s12+$0x8D00] =	vst v0  }
0x2b: {  	[tilespmem:s12+$0x8D10] =	vst v0  }
0x2c: {  	[tilespmem:s12+$0x8D20] =	vst v0  }
0x2d: {  	[tilespmem:s12+$0x8D30] =	vst v0  }
0x2e: {  	[tilespmem:s12+$0x8D40] =	vst v0  }
0x2f: {  	[tilespmem:s12+$0x8D50] =	vst v0  }
0x30: {  	[tilespmem:s12+$0x8D60] =	vst v0  }
0x31: {  	[tilespmem:s12+$0x8D70] =	vst v0  }
0x32: {  	[tilespmem:s12+$0x9100] =	vst v0  }
0x33: {  	[tilespmem:s12+$0x9110] =	vst v0  }
0x34: {  	s15 =	simm.s32 $0x0;
	s14 =	simm.s32 $0x2;
	s13 =	simm.s32 $0x0;
	[tilespmem:s12+$0x9120] =	vst v0  }
.LBB2_2:
0x35: {  	p0 =	sne.s32 s14, $0x22;
	s15 =	smul.u32 $0x5000, s15;
	[tilespmem:s12+$0x9130] =	vst v0  }
0x36: {  	s13 =	sadd.s32 $0x80, s13;
	[tilespmem:s12+$0x9140] =	vst v0  }
0x37: {  	s16 =	sand.u32 $0x380, s13;
	s15 =	sshra.s32 s15, $0x2;
	[tilespmem:s12+$0x9150] =	vst v0  }
0x38: {  	[tilespmem:s12+$0x9160] =	vst v0;
	s12 =	sor.u32 s16, s15  }
0x39: {  	[tilespmem:s12+$0x9170] =	vst v0  }
0x3a: {  	[tilespmem:s12+$0x8100] =	vst v0  }
0x3b: {  	[tilespmem:s12+$0x8110] =	vst v0  }
0x3c: {  	[tilespmem:s12+$0x8120] =	vst v0  }
0x3d: {  	[tilespmem:s12+$0x8130] =	vst v0  }
0x3e: {  	[tilespmem:s12+$0x8140] =	vst v0  }
0x3f: {  	[tilespmem:s12+$0x8150] =	vst v0  }
0x40: {  	[tilespmem:s12+$0x8160] =	vst v0  }
0x41: {  	[tilespmem:s12+$0x8170] =	vst v0  }
0x42: {  	[tilespmem:s12+$0x8500] =	vst v0  }
0x43: {  	[tilespmem:s12+$0x8510] =	vst v0  }
0x44: {  	[tilespmem:s12+$0x8520] =	vst v0  }
0x45: {  	[tilespmem:s12+$0x8530] =	vst v0  }
0x46: {  	[tilespmem:s12+$0x8540] =	vst v0  }
0x47: {  	[tilespmem:s12+$0x8550] =	vst v0  }
0x48: {  	[tilespmem:s12+$0x8560] =	vst v0  }
0x49: {  	[tilespmem:s12+$0x8570] =	vst v0  }
0x4a: {  	[tilespmem:s12+$0x8900] =	vst v0  }
0x4b: {  	[tilespmem:s12+$0x8910] =	vst v0  }
0x4c: {  	[tilespmem:s12+$0x8920] =	vst v0  }
0x4d: {  	[tilespmem:s12+$0x8930] =	vst v0  }
0x4e: {  	[tilespmem:s12+$0x8940] =	vst v0  }
0x4f: {  	[tilespmem:s12+$0x8950] =	vst v0  }
0x50: {  	[tilespmem:s12+$0x8960] =	vst v0  }
0x51: {  	[tilespmem:s12+$0x8970] =	vst v0  }
0x52: {  	[tilespmem:s12+$0x8D00] =	vst v0  }
0x53: {  	[tilespmem:s12+$0x8D10] =	vst v0  }
0x54: {  	[tilespmem:s12+$0x8D20] =	vst v0  }
0x55: {  	[tilespmem:s12+$0x8D30] =	vst v0  }
0x56: {  	[tilespmem:s12+$0x8D40] =	vst v0  }
0x57: {  	[tilespmem:s12+$0x8D50] =	vst v0  }
.Ltmp0:
0x58: {  	[tilespmem:s12+$0x8D60] =	vst v0;
	(pc) =	sbr.rel @p0 .LBB2_2-.Ltmp0, $4  }
0x59: {  	[tilespmem:s12+$0x8D70] =	vst v0  }
0x5a: {  	[tilespmem:s12+$0x9100] =	vst v0  }
0x5b: {  	[tilespmem:s12+$0x9110] =	vst v0  }
0x5c: {  	s15 =	sshrl.u32 s14, $0x3;
	s14 =	sadd.s32 $0x1, s14;
	[tilespmem:s12+$0x9120] =	vst v0  }
0x5d: {  	s14 =	smul.u32 $0x5000, s15;
	[tilespmem:s12+$0x9130] =	vst v0  }
0x5e: {  	[tilespmem:s12+$0x9140] =	vst v0;
	s13 =	sadd.s32 $0x80, s13  }
0x5f: {  	[tilespmem:s12+$0x9150] =	vst v0;
	s13 =	sand.u32 $0x380, s13;
	s14 =	sshra.s32 s14, $0x2  }
0x60: {  	[tilespmem:s12+$0x9160] =	vst v0;
	s13 =	sor.u32 s13, s14  }
0x61: {  	[tilespmem:s13+$0x9170] =	vst v0  }
0x62: {  	[tilespmem:s13+$0x8100] =	vst v0  }
0x63: {  	[tilespmem:s13+$0x8110] =	vst v0  }
0x64: {  	[tilespmem:s13+$0x8120] =	vst v0  }
0x65: {  	[tilespmem:s13+$0x8130] =	vst v0  }
0x66: {  	[tilespmem:s13+$0x8140] =	vst v0  }
0x67: {  	[tilespmem:s13+$0x8150] =	vst v0  }
0x68: {  	[tilespmem:s13+$0x8160] =	vst v0  }
0x69: {  	[tilespmem:s13+$0x8170] =	vst v0  }
0x6a: {  	[tilespmem:s13+$0x8500] =	vst v0  }
0x6b: {  	[tilespmem:s13+$0x8510] =	vst v0  }
0x6c: {  	[tilespmem:s13+$0x8520] =	vst v0  }
0x6d: {  	[tilespmem:s13+$0x8530] =	vst v0  }
0x6e: {  	[tilespmem:s13+$0x8540] =	vst v0  }
0x6f: {  	[tilespmem:s13+$0x8550] =	vst v0  }
0x70: {  	[tilespmem:s13+$0x8560] =	vst v0  }
0x71: {  	[tilespmem:s13+$0x8570] =	vst v0  }
0x72: {  	[tilespmem:s13+$0x8900] =	vst v0  }
0x73: {  	[tilespmem:s13+$0x8910] =	vst v0  }
0x74: {  	[tilespmem:s13+$0x8920] =	vst v0  }
0x75: {  	[tilespmem:s13+$0x8930] =	vst v0  }
0x76: {  	[tilespmem:s13+$0x8940] =	vst v0  }
0x77: {  	[tilespmem:s13+$0x8950] =	vst v0  }
0x78: {  	[tilespmem:s13+$0x8960] =	vst v0  }
0x79: {  	[tilespmem:s13+$0x8970] =	vst v0  }
0x7a: {  	[tilespmem:s13+$0x8D00] =	vst v0  }
0x7b: {  	[tilespmem:s13+$0x8D10] =	vst v0  }
0x7c: {  	[tilespmem:s13+$0x8D20] =	vst v0  }
0x7d: {  	[tilespmem:s13+$0x8D30] =	vst v0  }
0x7e: {  	[tilespmem:s13+$0x8D40] =	vst v0  }
0x7f: {  	[tilespmem:s13+$0x8D50] =	vst v0  }
0x80: {  	[tilespmem:s13+$0x8D60] =	vst v0  }
0x81: {  	[tilespmem:s13+$0x8D70] =	vst v0  }
0x82: {  	[tilespmem:s13+$0x9100] =	vst v0  }
0x83: {  	[tilespmem:s13+$0x9110] =	vst v0  }
0x84: {  	[tilespmem:s13+$0x9120] =	vst v0  }
0x85: {  	[tilespmem:s13+$0x9130] =	vst v0  }
0x86: {  	[tilespmem:s13+$0x9140] =	vst v0  }
0x87: {  	[tilespmem:s13+$0x9150] =	vst v0  }
0x88: {  	s12 =	simm.s32 $0x0;
	p1 =	por $0x1, $0x1;
	[tilespmem:s13+$0x9160] =	vst v0;
	s13 =	simm.s32 $0x0  }
.LBB2_4:
0x89: {  	s14 =	sor.u32 s4, s13  }
0x8a: {  	s31 =	sshll.u32 s13, $0x2;
	s15 =	simm.s32 $0x80;
	s14 =	sshll.u32 s14, $0x6  }
0x8b: {  	s16 =	simm.s32 $0x0;
	p0 =	por p1, p1;
	s14 =	sadd.s32 s1, s14  }
0x8c: {  	[tilespmem:s12], [sflag:$0x1] =	stream.linear.gather [hbm4b:s14+s12], $0x8000, $0x38;
	[tilespmem:$0xE500] =	vst v63  }
0x8d: {  	s17 =	simm.s32 $0x0;
	s18 =	simm.s32 $0x0;
	_ =	swait.ge [sflag:s9], $0x8000  }
0x8e: {  	s19 =	simm.s32 $0x80;
	s13 =	sshra.s32 s31, $0x2;
	[sflag:s9] =	ssyncset.done $0x0  }
0x8f: {  	s13 =	sadd.s32 $0x8001, s13;
	s14 =	simm.s32 $0xFFFFFFFE;
	[sflag:s9] =	ssyncadd.s32 $0xFFFF8000  }
.LBB2_5:
0x90: {  	s21 =	sadd.s32 $0xFFFFFF80, s19  }
0x91: {  	s20 =	sand.u32 $0x7000, s17;
	s21 =	sand.u32 $0x300, s21  }
0x92: {  	s21 =	sor.u32 s21, s20  }
0x93: {  	v2 =	vld [tilespmem:s21+$0x0]  }
0x94: {  	v3 =	vld [tilespmem:s21+$0x10]  }
0x95: {  	v4 =	vld [tilespmem:s21+$0x20]  }
0x96: {  	v5 =	vld [tilespmem:s21+$0x30]  }
0x97: {  	v6 =	vld [tilespmem:s21+$0x40]  }
0x98: {  	v7 =	vld [tilespmem:s21+$0x50]  }
0x99: {  	v8 =	vld [tilespmem:s21+$0x60]  }
0x9a: {  	v9 =	vld [tilespmem:s21+$0x70]  }
0x9b: {  	v10 =	vld [tilespmem:s21+$0x400]  }
0x9c: {  	v11 =	vld [tilespmem:s21+$0x410]  }
0x9d: {  	v12 =	vld [tilespmem:s21+$0x420]  }
0x9e: {  	v13 =	vld [tilespmem:s21+$0x430]  }
0x9f: {  	v14 =	vld [tilespmem:s21+$0x440]  }
0xa0: {  	v15 =	vld [tilespmem:s21+$0x450]  }
0xa1: {  	v16 =	vld [tilespmem:s21+$0x460]  }
0xa2: {  	v17 =	vld [tilespmem:s21+$0x470];
	v19 =	vmul.f32 v2, v2;
	v3 =	vmul.f32 v3, v3  }
0xa3: {  	v18 =	vld [tilespmem:s21+$0x800];
	v4 =	vmul.f32 v4, v4;
	v5 =	vmul.f32 v5, v5  }
0xa4: {  	v20 =	vld [tilespmem:s21+$0x810];
	v6 =	vmul.f32 v6, v6;
	v7 =	vmul.f32 v7, v7  }
0xa5: {  	v21 =	vld [tilespmem:s21+$0x820];
	v8 =	vmul.f32 v8, v8;
	v9 =	vmul.f32 v9, v9  }
0xa6: {  	v22 =	vld [tilespmem:s21+$0x830];
	v48 =	vmul.f32 v10, v10;
	v50 =	vmul.f32 v11, v11  }
0xa7: {  	s22 =	sand.u32 $0x3, s16;
	v23 =	vld [tilespmem:s21+$0x840];
	v52 =	vmul.f32 v12, v12;
	v53 =	vmul.f32 v13, v13  }
0xa8: {  	s22 =	sshll.u32 s22, $0x8;
	v49 =	vld [tilespmem:s21+$0x850];
	v55 =	vmul.f32 v14, v14;
	v56 =	vmul.f32 v15, v15  }
0xa9: {  	s30 =	sadd.s32 s22, s17;
	v51 =	vld [tilespmem:s21+$0x860];
	v58 =	vmul.f32 v16, v16;
	v60 =	vmul.f32 v17, v17  }
0xaa: {  	v54 =	vld [tilespmem:s21+$0x870];
	s22 =	sor.u32 $0xC00, s30;
	v62 =	vmul.f32 v18, v18;
	v63 =	vmul.f32 v20, v20  }
0xab: {  	s23 =	sor.u32 $0xC10, s30;
	v57 =	vld [tilespmem:s22+$0x0];
	v25 =	vmul.f32 v21, v21;
	v26 =	vmul.f32 v22, v22  }
0xac: {  	s24 =	sor.u32 $0xC20, s30;
	v59 =	vld [tilespmem:s23+$0x0];
	v28 =	vmul.f32 v23, v23;
	v6 =	vadd.f32 v6, v19;
	v3 =	vadd.f32 v7, v3  }
0xad: {  	s25 =	sor.u32 $0xC30, s30;
	v61 =	vld [tilespmem:s24+$0x0];
	v30 =	vmul.f32 v49, v49;
	v4 =	vadd.f32 v8, v4;
	v5 =	vadd.f32 v9, v5  }
0xae: {  	s26 =	sor.u32 $0xC40, s30;
	v24 =	vld [tilespmem:s25+$0x0];
	v32 =	vmul.f32 v51, v51;
	v6 =	vadd.f32 v48, v6;
	v3 =	vadd.f32 v50, v3  }
0xaf: {  	s28 =	sor.u32 $0xC50, s30;
	v27 =	vld [tilespmem:s26+$0x0];
	v33 =	vmul.f32 v54, v54;
	v4 =	vadd.f32 v52, v4;
	v5 =	vadd.f32 v53, v5  }
0xb0: {  	s29 =	sor.u32 $0xC60, s30;
	v29 =	vld [tilespmem:s28+$0x0];
	v35 =	vmul.f32 v57, v57;
	v6 =	vadd.f32 v55, v6;
	v3 =	vadd.f32 v56, v3  }
0xb1: {  	s30 =	sor.u32 $0xC70, s30;
	v31 =	vld [tilespmem:s29+$0x0];
	v11 =	vmul.f32 v59, v59;
	v4 =	vadd.f32 v58, v4;
	v5 =	vadd.f32 v60, v5  }
0xb2: {  	v34 =	vld [tilespmem:s30+$0x0];
	v36 =	vmul.f32 v61, v61;
	v6 =	vadd.f32 v62, v6;
	v3 =	vadd.f32 v63, v3  }
0xb3: {  	v37 =	vmul.f32 v24, v24;
	v4 =	vadd.f32 v25, v4;
	v5 =	vadd.f32 v26, v5  }
0xb4: {  	v38 =	vmul.f32 v27, v27;
	v6 =	vadd.f32 v28, v6;
	v3 =	vadd.f32 v30, v3  }
0xb5: {  	v39 =	vmul.f32 v29, v29;
	v4 =	vadd.f32 v32, v4;
	v5 =	vadd.f32 v33, v5  }
0xb6: {  	v40 =	vmul.f32 v31, v31;
	v6 =	vadd.f32 v35, v6;
	v3 =	vadd.f32 v11, v3  }
0xb7: {  	v41 =	vmul.f32 v34, v34;
	v4 =	vadd.f32 v36, v4;
	v5 =	vadd.f32 v37, v5  }
0xb8: {  	v6 =	vadd.f32 v38, v6;
	v3 =	vadd.f32 v39, v3  }
0xb9: {  	v4 =	vadd.f32 v40, v4;
	v5 =	vadd.f32 v41, v5;
	_ =	sdelay $0x1  }
0xba: {  	v3 =	vadd.f32 v3, v6;
	v4 =	vadd.f32 v5, v4;
	_ =	sdelay $0x1  }
0xbb: {  	v3 =	vadd.f32 v4, v3;
	_ =	sdelay $0x1  }
0xbc: {  	(xrf2) =	vadd.scan.msk.f32 $0xffff, v3;
	_ =	sdelay $0x9  }
0xbd: {  	v3, _, _ =	vpop (xrf2)  }
0xbe: {  	v3 =	vbroadcast v3, $0xF;
	_ =	sdelay $0x1  }
0xbf: {  	v42 =	vshra.s32 v3, $0x1;
	v43 =	vmul.f32 $5.000000000e-01, v3  }
0xc0: {  	v4 =	vsub.s32 $0x5F3759DF, v42  }
0xc1: {  	v44 =	vmul.f32 v4, v43  }
0xc2: {  	v45 =	vld [tilespmem:s13+$0xFFFFFFFF]  }
0xc3: {  	v6 =	vmul.f32 v4, v44;
	_ =	sdelay $0x1  }
0xc4: {  	v6 =	vsub.f32 $1.500000000e+00, v6;
	_ =	sdelay $0x1  }
0xc5: {  	(v2sf) =	vpush v45, $0x0;
	v4 =	vmul.f32 v4, v6;
	_ =	sdelay $0x1  }
0xc6: {  	v6 =	vmul.f32 v4, v43;
	_ =	sdelay $0x1  }
0xc7: {  	v6 =	vmul.f32 v6, v4;
	_ =	sdelay $0x1  }
0xc8: {  	v6 =	vsub.f32 $1.500000000e+00, v6;
	_ =	sdelay $0x1  }
0xc9: {  	v4 =	vmul.f32 v6, v4;
	_ =	sdelay $0x1  }
0xca: {  	v5 =	vmul.f32 v4, v43;
	_ =	sdelay $0x1  }
0xcb: {  	v5 =	vmul.f32 v5, v4;
	_ =	sdelay $0x1  }
0xcc: {  	v5 =	vsub.f32 $1.500000000e+00, v5  }
0xcd: {  	s31 =	spop (v2sf)  }
0xce: {  	s2 =	sshrl.u32 s31, $0x3;
	v4 =	vmul.f32 v5, v4  }
0xcf: {  	s2 =	smul.u32 $0x5000, s2;
	vm1 =	vlt.f32 v3, $1.000000020e-24  }
0xd0: {  	s31 =	sshll.u32 s31, $0x7;
	v4 =	vsel vm1, $0x5368D4A5, v4  }
0xd1: {  	s31 =	sand.u32 $0x380, s31;
	s2 =	sshra.s32 s2, $0x2;
	v2 =	vmul.f32 v4, v2  }
0xd2: {  	s31 =	sor.u32 s31, s2  }
0xd3: {  	[tilespmem:s31+$0x8100] =	vst.add.f32.msk $0xffff, v2  }
0xd4: {  	v2 =	vld [tilespmem:s21+$0x10];
	_ =	sdelay $0x4  }
0xd5: {  	v2 =	vmul.f32 v4, v2;
	_ =	sdelay $0x1  }
0xd6: {  	[tilespmem:s31+$0x8110] =	vst.add.f32.msk $0xffff, v2  }
0xd7: {  	v2 =	vld [tilespmem:s21+$0x20];
	_ =	sdelay $0x4  }
0xd8: {  	v2 =	vmul.f32 v4, v2;
	_ =	sdelay $0x1  }
0xd9: {  	[tilespmem:s31+$0x8120] =	vst.add.f32.msk $0xffff, v2  }
0xda: {  	v2 =	vld [tilespmem:s21+$0x30];
	_ =	sdelay $0x4  }
0xdb: {  	v2 =	vmul.f32 v4, v2;
	_ =	sdelay $0x1  }
0xdc: {  	[tilespmem:s31+$0x8130] =	vst.add.f32.msk $0xffff, v2  }
0xdd: {  	v2 =	vld [tilespmem:s21+$0x40];
	_ =	sdelay $0x4  }
0xde: {  	v2 =	vmul.f32 v4, v2;
	_ =	sdelay $0x1  }
0xdf: {  	[tilespmem:s31+$0x8140] =	vst.add.f32.msk $0xffff, v2  }
0xe0: {  	v2 =	vld [tilespmem:s21+$0x50];
	_ =	sdelay $0x4  }
0xe1: {  	v2 =	vmul.f32 v4, v2;
	_ =	sdelay $0x1  }
0xe2: {  	[tilespmem:s31+$0x8150] =	vst.add.f32.msk $0xffff, v2  }
0xe3: {  	v2 =	vld [tilespmem:s21+$0x60];
	_ =	sdelay $0x4  }
0xe4: {  	v2 =	vmul.f32 v4, v2;
	_ =	sdelay $0x1  }
0xe5: {  	[tilespmem:s31+$0x8160] =	vst.add.f32.msk $0xffff, v2  }
0xe6: {  	v2 =	vld [tilespmem:s21+$0x70];
	_ =	sdelay $0x4  }
0xe7: {  	v2 =	vmul.f32 v4, v2;
	_ =	sdelay $0x1  }
0xe8: {  	[tilespmem:s31+$0x8170] =	vst.add.f32.msk $0xffff, v2  }
0xe9: {  	v2 =	vld [tilespmem:s21+$0x400];
	_ =	sdelay $0x4  }
0xea: {  	v2 =	vmul.f32 v4, v2;
	_ =	sdelay $0x1  }
0xeb: {  	[tilespmem:s31+$0x8500] =	vst.add.f32.msk $0xffff, v2  }
0xec: {  	v2 =	vld [tilespmem:s21+$0x410];
	_ =	sdelay $0x4  }
0xed: {  	v2 =	vmul.f32 v4, v2;
	_ =	sdelay $0x1  }
0xee: {  	[tilespmem:s31+$0x8510] =	vst.add.f32.msk $0xffff, v2  }
0xef: {  	v2 =	vld [tilespmem:s21+$0x420];
	_ =	sdelay $0x4  }
0xf0: {  	v2 =	vmul.f32 v4, v2;
	_ =	sdelay $0x1  }
0xf1: {  	[tilespmem:s31+$0x8520] =	vst.add.f32.msk $0xffff, v2  }
0xf2: {  	v2 =	vld [tilespmem:s21+$0x430];
	_ =	sdelay $0x4  }
0xf3: {  	v2 =	vmul.f32 v4, v2;
	_ =	sdelay $0x1  }
0xf4: {  	[tilespmem:s31+$0x8530] =	vst.add.f32.msk $0xffff, v2  }
0xf5: {  	v2 =	vld [tilespmem:s21+$0x440];
	_ =	sdelay $0x4  }
0xf6: {  	v2 =	vmul.f32 v2, v4;
	_ =	sdelay $0x1  }
0xf7: {  	[tilespmem:s31+$0x8540] =	vst.add.f32.msk $0xffff, v2  }
0xf8: {  	v2 =	vld [tilespmem:s21+$0x450];
	_ =	sdelay $0x4  }
0xf9: {  	v2 =	vmul.f32 v2, v4;
	_ =	sdelay $0x1  }
0xfa: {  	[tilespmem:s31+$0x8550] =	vst.add.f32.msk $0xffff, v2  }
0xfb: {  	v2 =	vld [tilespmem:s21+$0x460];
	_ =	sdelay $0x4  }
0xfc: {  	v2 =	vmul.f32 v2, v4;
	_ =	sdelay $0x1  }
0xfd: {  	[tilespmem:s31+$0x8560] =	vst.add.f32.msk $0xffff, v2  }
0xfe: {  	v2 =	vld [tilespmem:s21+$0x470];
	_ =	sdelay $0x4  }
0xff: {  	v2 =	vmul.f32 v2, v4;
	_ =	sdelay $0x1  }
0x100: {  	[tilespmem:s31+$0x8570] =	vst.add.f32.msk $0xffff, v2  }
0x101: {  	v2 =	vld [tilespmem:s21+$0x800];
	_ =	sdelay $0x4  }
0x102: {  	v2 =	vmul.f32 v2, v4;
	_ =	sdelay $0x1  }
0x103: {  	[tilespmem:s31+$0x8900] =	vst.add.f32.msk $0xffff, v2  }
0x104: {  	v2 =	vld [tilespmem:s21+$0x810];
	_ =	sdelay $0x4  }
0x105: {  	v2 =	vmul.f32 v2, v4;
	_ =	sdelay $0x1  }
0x106: {  	[tilespmem:s31+$0x8910] =	vst.add.f32.msk $0xffff, v2  }
0x107: {  	v2 =	vld [tilespmem:s21+$0x820];
	_ =	sdelay $0x4  }
0x108: {  	v2 =	vmul.f32 v2, v4;
	_ =	sdelay $0x1  }
0x109: {  	[tilespmem:s31+$0x8920] =	vst.add.f32.msk $0xffff, v2  }
0x10a: {  	v2 =	vld [tilespmem:s21+$0x830];
	_ =	sdelay $0x4  }
0x10b: {  	v2 =	vmul.f32 v2, v4;
	_ =	sdelay $0x1  }
0x10c: {  	[tilespmem:s31+$0x8930] =	vst.add.f32.msk $0xffff, v2  }
0x10d: {  	v2 =	vld [tilespmem:s21+$0x840];
	_ =	sdelay $0x4  }
0x10e: {  	v2 =	vmul.f32 v2, v4;
	_ =	sdelay $0x1  }
0x10f: {  	[tilespmem:s31+$0x8940] =	vst.add.f32.msk $0xffff, v2  }
0x110: {  	v2 =	vld [tilespmem:s21+$0x850];
	_ =	sdelay $0x4  }
0x111: {  	v2 =	vmul.f32 v2, v4;
	_ =	sdelay $0x1  }
0x112: {  	[tilespmem:s31+$0x8950] =	vst.add.f32.msk $0xffff, v2  }
0x113: {  	v2 =	vld [tilespmem:s21+$0x860];
	_ =	sdelay $0x4  }
0x114: {  	v2 =	vmul.f32 v2, v4;
	_ =	sdelay $0x1  }
0x115: {  	[tilespmem:s31+$0x8960] =	vst.add.f32.msk $0xffff, v2  }
0x116: {  	v2 =	vld [tilespmem:s21+$0x870];
	_ =	sdelay $0x4  }
0x117: {  	v2 =	vmul.f32 v2, v4;
	_ =	sdelay $0x1  }
0x118: {  	[tilespmem:s31+$0x8970] =	vst.add.f32.msk $0xffff, v2  }
0x119: {  	v2 =	vld [tilespmem:s22+$0x0];
	_ =	sdelay $0x4  }
0x11a: {  	v2 =	vmul.f32 v2, v4;
	_ =	sdelay $0x1  }
0x11b: {  	[tilespmem:s31+$0x8D00] =	vst.add.f32.msk $0xffff, v2  }
0x11c: {  	v2 =	vld [tilespmem:s23+$0x0];
	_ =	sdelay $0x4  }
0x11d: {  	v2 =	vmul.f32 v2, v4;
	_ =	sdelay $0x1  }
0x11e: {  	[tilespmem:s31+$0x8D10] =	vst.add.f32.msk $0xffff, v2  }
0x11f: {  	v2 =	vld [tilespmem:s24+$0x0];
	_ =	sdelay $0x4  }
0x120: {  	v2 =	vmul.f32 v2, v4;
	_ =	sdelay $0x1  }
0x121: {  	[tilespmem:s31+$0x8D20] =	vst.add.f32.msk $0xffff, v2  }
0x122: {  	v2 =	vld [tilespmem:s25+$0x0];
	_ =	sdelay $0x4  }
0x123: {  	v2 =	vmul.f32 v2, v4;
	_ =	sdelay $0x1  }
0x124: {  	[tilespmem:s31+$0x8D30] =	vst.add.f32.msk $0xffff, v2  }
0x125: {  	v2 =	vld [tilespmem:s26+$0x0];
	_ =	sdelay $0x4  }
0x126: {  	v2 =	vmul.f32 v2, v4;
	_ =	sdelay $0x1  }
0x127: {  	[tilespmem:s31+$0x8D40] =	vst.add.f32.msk $0xffff, v2  }
0x128: {  	v2 =	vld [tilespmem:s28+$0x0];
	_ =	sdelay $0x4  }
0x129: {  	v2 =	vmul.f32 v2, v4;
	_ =	sdelay $0x1  }
0x12a: {  	[tilespmem:s31+$0x8D50] =	vst.add.f32.msk $0xffff, v2  }
0x12b: {  	v2 =	vld [tilespmem:s29+$0x0];
	_ =	sdelay $0x4  }
0x12c: {  	v2 =	vmul.f32 v2, v4;
	_ =	sdelay $0x1  }
0x12d: {  	[tilespmem:s31+$0x8D60] =	vst.add.f32.msk $0xffff, v2  }
0x12e: {  	v2 =	vld [tilespmem:s30+$0x0];
	_ =	sdelay $0x1  }
0x12f: {  	v3 =	vmul.f32 v4, v3;
	_ =	sdelay $0x1  }
0x130: {  	v3 =	vmul.f32 v3, v4  }
0x131: {  	v2 =	vmul.f32 v2, v4  }
0x132: {  	vm1 =	veq.s32 v1, $0x0;
	v3 =	vsel vm0, $0x0, v3  }
0x133: {  	s29 =	sand.u32 $0x380, s19;
	[tilespmem:s31+$0x8D70] =	vst.add.f32.msk $0xffff, v2;
	v2 =	vsel vm1, $0x3F800000, v3  }
0x134: {  	s20 =	sor.u32 s29, s20;
	[tilespmem:s31+$0x9100] =	vst.add.f32.msk $0xffff, v2  }
0x135: {  	v2 =	vld [tilespmem:s20+$0x0]  }
0x136: {  	v3 =	vld [tilespmem:s20+$0x10]  }
0x137: {  	v46 =	vld [tilespmem:s20+$0x20]  }
0x138: {  	v47 =	vld [tilespmem:s20+$0x30]  }
0x139: {  	v48 =	vld [tilespmem:s20+$0x40]  }
0x13a: {  	v49 =	vld [tilespmem:s20+$0x50]  }
0x13b: {  	v50 =	vld [tilespmem:s20+$0x60]  }
0x13c: {  	v51 =	vld [tilespmem:s20+$0x70]  }
0x13d: {  	v52 =	vld [tilespmem:s20+$0x400]  }
0x13e: {  	v53 =	vld [tilespmem:s20+$0x410]  }
0x13f: {  	v54 =	vld [tilespmem:s20+$0x420]  }
0x140: {  	v55 =	vld [tilespmem:s20+$0x430]  }
0x141: {  	v56 =	vld [tilespmem:s20+$0x440]  }
0x142: {  	v57 =	vld [tilespmem:s20+$0x450]  }
0x143: {  	v58 =	vld [tilespmem:s20+$0x460]  }
0x144: {  	v59 =	vld [tilespmem:s20+$0x470];
	v61 =	vmul.f32 v2, v2;
	v3 =	vmul.f32 v3, v3  }
0x145: {  	v60 =	vld [tilespmem:s20+$0x800];
	v4 =	vmul.f32 v46, v46;
	v5 =	vmul.f32 v47, v47  }
0x146: {  	v62 =	vld [tilespmem:s20+$0x810];
	v6 =	vmul.f32 v48, v48;
	v7 =	vmul.f32 v49, v49  }
0x147: {  	v63 =	vld [tilespmem:s20+$0x820];
	v8 =	vmul.f32 v50, v50;
	v9 =	vmul.f32 v51, v51  }
0x148: {  	v24 =	vld [tilespmem:s20+$0x830];
	v26 =	vmul.f32 v52, v52;
	v28 =	vmul.f32 v53, v53  }
0x149: {  	s30 =	sand.u32 $0x7, s18;
	v25 =	vld [tilespmem:s20+$0x840];
	v30 =	vmul.f32 v54, v54;
	v31 =	vmul.f32 v55, v55  }
0x14a: {  	s2 =	sshll.u32 s30, $0x7;
	v27 =	vld [tilespmem:s20+$0x850];
	v33 =	vmul.f32 v56, v56;
	v34 =	vmul.f32 v57, v57  }
0x14b: {  	s2 =	sadd.s32 s2, s15;
	v29 =	vld [tilespmem:s20+$0x860];
	v36 =	vmul.f32 v58, v58;
	v38 =	vmul.f32 v59, v59  }
0x14c: {  	s21 =	sor.u32 $0xC00, s2;
	v32 =	vld [tilespmem:s20+$0x870];
	v40 =	vmul.f32 v60, v60;
	v41 =	vmul.f32 v62, v62  }
0x14d: {  	s22 =	sor.u32 $0xC10, s2;
	v35 =	vld [tilespmem:s21+$0x0];
	v43 =	vmul.f32 v63, v63;
	v44 =	vmul.f32 v24, v24  }
0x14e: {  	s23 =	sor.u32 $0xC20, s2;
	v37 =	vld [tilespmem:s22+$0x0];
	v46 =	vmul.f32 v25, v25;
	v6 =	vadd.f32 v6, v61;
	v3 =	vadd.f32 v7, v3  }
0x14f: {  	s24 =	sor.u32 $0xC30, s2;
	v39 =	vld [tilespmem:s23+$0x0];
	v48 =	vmul.f32 v27, v27;
	v4 =	vadd.f32 v8, v4;
	v5 =	vadd.f32 v9, v5  }
0x150: {  	s25 =	sor.u32 $0xC40, s2;
	v42 =	vld [tilespmem:s24+$0x0];
	v50 =	vmul.f32 v29, v29;
	v6 =	vadd.f32 v26, v6;
	v3 =	vadd.f32 v28, v3  }
0x151: {  	s26 =	sor.u32 $0xC50, s2;
	v45 =	vld [tilespmem:s25+$0x0];
	v51 =	vmul.f32 v32, v32;
	v4 =	vadd.f32 v30, v4;
	v5 =	vadd.f32 v31, v5  }
0x152: {  	s28 =	sor.u32 $0xC60, s2;
	v47 =	vld [tilespmem:s26+$0x0];
	v53 =	vmul.f32 v35, v35;
	v6 =	vadd.f32 v33, v6;
	v3 =	vadd.f32 v34, v3  }
0x153: {  	s29 =	sor.u32 $0xC70, s2;
	v49 =	vld [tilespmem:s28+$0x0];
	v11 =	vmul.f32 v37, v37;
	v4 =	vadd.f32 v36, v4;
	v5 =	vadd.f32 v38, v5  }
0x154: {  	v52 =	vld [tilespmem:s29+$0x0];
	v54 =	vmul.f32 v39, v39;
	v6 =	vadd.f32 v40, v6;
	v3 =	vadd.f32 v41, v3  }
0x155: {  	v55 =	vmul.f32 v42, v42;
	v4 =	vadd.f32 v43, v4;
	v5 =	vadd.f32 v44, v5  }
0x156: {  	v56 =	vmul.f32 v45, v45;
	v6 =	vadd.f32 v46, v6;
	v3 =	vadd.f32 v48, v3  }
0x157: {  	v57 =	vmul.f32 v47, v47;
	v4 =	vadd.f32 v50, v4;
	v5 =	vadd.f32 v51, v5  }
0x158: {  	v58 =	vmul.f32 v49, v49;
	v6 =	vadd.f32 v53, v6;
	v3 =	vadd.f32 v11, v3  }
0x159: {  	v59 =	vmul.f32 v52, v52;
	v4 =	vadd.f32 v54, v4;
	v5 =	vadd.f32 v55, v5  }
0x15a: {  	v6 =	vadd.f32 v56, v6;
	v3 =	vadd.f32 v57, v3  }
0x15b: {  	v4 =	vadd.f32 v58, v4;
	v5 =	vadd.f32 v59, v5;
	_ =	sdelay $0x1  }
0x15c: {  	v3 =	vadd.f32 v3, v6;
	v4 =	vadd.f32 v5, v4;
	_ =	sdelay $0x1  }
0x15d: {  	v3 =	vadd.f32 v4, v3;
	_ =	sdelay $0x1  }
0x15e: {  	(xrf2) =	vadd.scan.msk.f32 $0xffff, v3;
	_ =	sdelay $0x9  }
0x15f: {  	v3, _, _ =	vpop (xrf2)  }
0x160: {  	v3 =	vbroadcast v3, $0xF;
	_ =	sdelay $0x1  }
0x161: {  	v60 =	vshra.s32 v3, $0x1;
	v61 =	vmul.f32 $5.000000000e-01, v3  }
0x162: {  	v4 =	vsub.s32 $0x5F3759DF, v60  }
0x163: {  	v62 =	vmul.f32 v4, v61  }
0x164: {  	v63 =	vld [tilespmem:s13+$0x0]  }
0x165: {  	v6 =	vmul.f32 v4, v62;
	_ =	sdelay $0x1  }
0x166: {  	v6 =	vsub.f32 $1.500000000e+00, v6;
	_ =	sdelay $0x1  }
0x167: {  	(v2sf) =	vpush v63, $0x0;
	v4 =	vmul.f32 v4, v6;
	_ =	sdelay $0x1  }
0x168: {  	v6 =	vmul.f32 v4, v61;
	_ =	sdelay $0x1  }
0x169: {  	v6 =	vmul.f32 v6, v4;
	_ =	sdelay $0x1  }
0x16a: {  	v6 =	vsub.f32 $1.500000000e+00, v6;
	_ =	sdelay $0x1  }
0x16b: {  	v4 =	vmul.f32 v6, v4;
	_ =	sdelay $0x1  }
0x16c: {  	v5 =	vmul.f32 v4, v61;
	_ =	sdelay $0x1  }
0x16d: {  	v5 =	vmul.f32 v5, v4;
	_ =	sdelay $0x1  }
0x16e: {  	v5 =	vsub.f32 $1.500000000e+00, v5  }
0x16f: {  	s2 =	spop (v2sf)  }
0x170: {  	s31 =	sshrl.u32 s2, $0x3;
	v4 =	vmul.f32 v5, v4  }
0x171: {  	s30 =	smul.u32 $0x5000, s31;
	vm2 =	vlt.f32 v3, $1.000000020e-24  }
0x172: {  	s2 =	sshll.u32 s2, $0x7;
	v4 =	vsel vm2, $0x5368D4A5, v4  }
0x173: {  	s2 =	sand.u32 $0x380, s2;
	s30 =	sshra.s32 s30, $0x2;
	v2 =	vmul.f32 v4, v2  }
0x174: {  	s30 =	sor.u32 s2, s30  }
0x175: {  	[tilespmem:s30+$0x8100] =	vst.add.f32.msk $0xffff, v2  }
0x176: {  	v2 =	vld [tilespmem:s20+$0x10];
	_ =	sdelay $0x4  }
0x177: {  	v2 =	vmul.f32 v4, v2;
	_ =	sdelay $0x1  }
0x178: {  	[tilespmem:s30+$0x8110] =	vst.add.f32.msk $0xffff, v2  }
0x179: {  	v2 =	vld [tilespmem:s20+$0x20];
	_ =	sdelay $0x4  }
0x17a: {  	v2 =	vmul.f32 v4, v2;
	_ =	sdelay $0x1  }
0x17b: {  	[tilespmem:s30+$0x8120] =	vst.add.f32.msk $0xffff, v2  }
0x17c: {  	v2 =	vld [tilespmem:s20+$0x30];
	_ =	sdelay $0x4  }
0x17d: {  	v2 =	vmul.f32 v4, v2;
	_ =	sdelay $0x1  }
0x17e: {  	[tilespmem:s30+$0x8130] =	vst.add.f32.msk $0xffff, v2  }
0x17f: {  	v2 =	vld [tilespmem:s20+$0x40];
	_ =	sdelay $0x4  }
0x180: {  	v2 =	vmul.f32 v4, v2;
	_ =	sdelay $0x1  }
0x181: {  	[tilespmem:s30+$0x8140] =	vst.add.f32.msk $0xffff, v2  }
0x182: {  	v2 =	vld [tilespmem:s20+$0x50];
	_ =	sdelay $0x4  }
0x183: {  	v2 =	vmul.f32 v4, v2;
	_ =	sdelay $0x1  }
0x184: {  	[tilespmem:s30+$0x8150] =	vst.add.f32.msk $0xffff, v2  }
0x185: {  	v2 =	vld [tilespmem:s20+$0x60];
	_ =	sdelay $0x4  }
0x186: {  	v2 =	vmul.f32 v4, v2;
	_ =	sdelay $0x1  }
0x187: {  	[tilespmem:s30+$0x8160] =	vst.add.f32.msk $0xffff, v2  }
0x188: {  	v2 =	vld [tilespmem:s20+$0x70];
	_ =	sdelay $0x4  }
0x189: {  	v2 =	vmul.f32 v4, v2;
	_ =	sdelay $0x1  }
0x18a: {  	[tilespmem:s30+$0x8170] =	vst.add.f32.msk $0xffff, v2  }
0x18b: {  	v2 =	vld [tilespmem:s20+$0x400];
	_ =	sdelay $0x4  }
0x18c: {  	v2 =	vmul.f32 v4, v2;
	_ =	sdelay $0x1  }
0x18d: {  	[tilespmem:s30+$0x8500] =	vst.add.f32.msk $0xffff, v2  }
0x18e: {  	v2 =	vld [tilespmem:s20+$0x410];
	_ =	sdelay $0x4  }
0x18f: {  	v2 =	vmul.f32 v4, v2;
	_ =	sdelay $0x1  }
0x190: {  	[tilespmem:s30+$0x8510] =	vst.add.f32.msk $0xffff, v2  }
0x191: {  	v2 =	vld [tilespmem:s20+$0x420];
	_ =	sdelay $0x4  }
0x192: {  	v2 =	vmul.f32 v4, v2;
	_ =	sdelay $0x1  }
0x193: {  	[tilespmem:s30+$0x8520] =	vst.add.f32.msk $0xffff, v2  }
0x194: {  	v2 =	vld [tilespmem:s20+$0x430];
	_ =	sdelay $0x4  }
0x195: {  	v2 =	vmul.f32 v4, v2;
	_ =	sdelay $0x1  }
0x196: {  	[tilespmem:s30+$0x8530] =	vst.add.f32.msk $0xffff, v2  }
0x197: {  	v2 =	vld [tilespmem:s20+$0x440];
	_ =	sdelay $0x4  }
0x198: {  	v2 =	vmul.f32 v2, v4;
	_ =	sdelay $0x1  }
0x199: {  	[tilespmem:s30+$0x8540] =	vst.add.f32.msk $0xffff, v2  }
0x19a: {  	v2 =	vld [tilespmem:s20+$0x450];
	_ =	sdelay $0x4  }
0x19b: {  	v2 =	vmul.f32 v2, v4;
	_ =	sdelay $0x1  }
0x19c: {  	[tilespmem:s30+$0x8550] =	vst.add.f32.msk $0xffff, v2  }
0x19d: {  	v2 =	vld [tilespmem:s20+$0x460];
	_ =	sdelay $0x4  }
0x19e: {  	v2 =	vmul.f32 v2, v4;
	_ =	sdelay $0x1  }
0x19f: {  	[tilespmem:s30+$0x8560] =	vst.add.f32.msk $0xffff, v2  }
0x1a0: {  	v2 =	vld [tilespmem:s20+$0x470];
	_ =	sdelay $0x4  }
0x1a1: {  	v2 =	vmul.f32 v2, v4;
	_ =	sdelay $0x1  }
0x1a2: {  	[tilespmem:s30+$0x8570] =	vst.add.f32.msk $0xffff, v2  }
0x1a3: {  	v2 =	vld [tilespmem:s20+$0x800];
	_ =	sdelay $0x4  }
0x1a4: {  	v2 =	vmul.f32 v2, v4;
	_ =	sdelay $0x1  }
0x1a5: {  	[tilespmem:s30+$0x8900] =	vst.add.f32.msk $0xffff, v2  }
0x1a6: {  	v2 =	vld [tilespmem:s20+$0x810];
	_ =	sdelay $0x4  }
0x1a7: {  	v2 =	vmul.f32 v2, v4;
	_ =	sdelay $0x1  }
0x1a8: {  	[tilespmem:s30+$0x8910] =	vst.add.f32.msk $0xffff, v2  }
0x1a9: {  	v2 =	vld [tilespmem:s20+$0x820];
	_ =	sdelay $0x4  }
0x1aa: {  	v2 =	vmul.f32 v2, v4;
	_ =	sdelay $0x1  }
0x1ab: {  	[tilespmem:s30+$0x8920] =	vst.add.f32.msk $0xffff, v2  }
0x1ac: {  	v2 =	vld [tilespmem:s20+$0x830];
	_ =	sdelay $0x4  }
0x1ad: {  	v2 =	vmul.f32 v2, v4;
	_ =	sdelay $0x1  }
0x1ae: {  	[tilespmem:s30+$0x8930] =	vst.add.f32.msk $0xffff, v2  }
0x1af: {  	v2 =	vld [tilespmem:s20+$0x840];
	_ =	sdelay $0x4  }
0x1b0: {  	v2 =	vmul.f32 v2, v4;
	_ =	sdelay $0x1  }
0x1b1: {  	[tilespmem:s30+$0x8940] =	vst.add.f32.msk $0xffff, v2  }
0x1b2: {  	v2 =	vld [tilespmem:s20+$0x850];
	_ =	sdelay $0x4  }
0x1b3: {  	v2 =	vmul.f32 v2, v4;
	_ =	sdelay $0x1  }
0x1b4: {  	[tilespmem:s30+$0x8950] =	vst.add.f32.msk $0xffff, v2  }
0x1b5: {  	v2 =	vld [tilespmem:s20+$0x860];
	_ =	sdelay $0x4  }
0x1b6: {  	v2 =	vmul.f32 v2, v4;
	_ =	sdelay $0x1  }
0x1b7: {  	[tilespmem:s30+$0x8960] =	vst.add.f32.msk $0xffff, v2  }
0x1b8: {  	v2 =	vld [tilespmem:s20+$0x870];
	_ =	sdelay $0x4  }
0x1b9: {  	v2 =	vmul.f32 v2, v4;
	_ =	sdelay $0x1  }
0x1ba: {  	[tilespmem:s30+$0x8970] =	vst.add.f32.msk $0xffff, v2  }
0x1bb: {  	v2 =	vld [tilespmem:s21+$0x0];
	_ =	sdelay $0x4  }
0x1bc: {  	v2 =	vmul.f32 v2, v4;
	_ =	sdelay $0x1  }
0x1bd: {  	[tilespmem:s30+$0x8D00] =	vst.add.f32.msk $0xffff, v2  }
0x1be: {  	v2 =	vld [tilespmem:s22+$0x0];
	_ =	sdelay $0x4  }
0x1bf: {  	v2 =	vmul.f32 v2, v4;
	_ =	sdelay $0x1  }
0x1c0: {  	[tilespmem:s30+$0x8D10] =	vst.add.f32.msk $0xffff, v2  }
0x1c1: {  	v2 =	vld [tilespmem:s23+$0x0];
	_ =	sdelay $0x4  }
0x1c2: {  	v2 =	vmul.f32 v2, v4;
	_ =	sdelay $0x1  }
0x1c3: {  	[tilespmem:s30+$0x8D20] =	vst.add.f32.msk $0xffff, v2  }
0x1c4: {  	v2 =	vld [tilespmem:s24+$0x0];
	_ =	sdelay $0x4  }
0x1c5: {  	v2 =	vmul.f32 v2, v4;
	_ =	sdelay $0x1  }
0x1c6: {  	[tilespmem:s30+$0x8D30] =	vst.add.f32.msk $0xffff, v2  }
0x1c7: {  	v2 =	vld [tilespmem:s25+$0x0];
	_ =	sdelay $0x4  }
0x1c8: {  	v2 =	vmul.f32 v2, v4;
	_ =	sdelay $0x1  }
0x1c9: {  	[tilespmem:s30+$0x8D40] =	vst.add.f32.msk $0xffff, v2  }
0x1ca: {  	v2 =	vld [tilespmem:s26+$0x0];
	_ =	sdelay $0x4  }
0x1cb: {  	v2 =	vmul.f32 v2, v4;
	_ =	sdelay $0x1  }
0x1cc: {  	[tilespmem:s30+$0x8D50] =	vst.add.f32.msk $0xffff, v2  }
0x1cd: {  	v2 =	vld [tilespmem:s28+$0x0];
	_ =	sdelay $0x4  }
0x1ce: {  	v2 =	vmul.f32 v2, v4;
	_ =	sdelay $0x1  }
0x1cf: {  	[tilespmem:s30+$0x8D60] =	vst.add.f32.msk $0xffff, v2  }
0x1d0: {  	v2 =	vld [tilespmem:s29+$0x0];
	_ =	sdelay $0x1  }
0x1d1: {  	s14 =	sadd.s32 $0x2, s14;
	v3 =	vmul.f32 v4, v3  }
0x1d2: {  	p1 =	slt.u32 s14, $0x3E  }
.Ltmp1:
0x1d3: {  	v3 =	vmul.f32 v3, v4;
	(pc) =	sbr.rel @p1 .LBB2_5-.Ltmp1, $4  }
0x1d4: {  	v2 =	vmul.f32 v2, v4  }
0x1d5: {  	v3 =	vsel vm0, $0x0, v3  }
0x1d6: {  	s16 =	sadd.s32 $0x1, s16;
	s17 =	sadd.s32 $0x400, s17;
	s19 =	sadd.s32 $0x100, s19;
	[tilespmem:s30+$0x8D70] =	vst.add.f32.msk $0xffff, v2;
	v2 =	vsel vm1, $0x3F800000, v3  }
0x1d7: {  	s18 =	sadd.s32 $0x2, s18;
	s15 =	sadd.s32 $0x400, s15;
	s13 =	sadd.s32 $0x2, s13;
	[tilespmem:s30+$0x9100] =	vst.add.f32.msk $0xffff, v2  }
.Ltmp2:
0x1d8: {  	(pc) =	sbr.rel @p0 .LBB2_4-.Ltmp2, $2  }
0x1d9: {  	_ =	sdelay $0x2  }
0x1da: {  	s13 =	simm.s32 $0x40;
	p1 =	por $0x0, $0x0  }
0x1db: {  	s11 =	sadd.s32 $0x1, s11  }
0x1dc: {  	p0 =	sne.s32 s11, s7  }
.Ltmp3:
0x1dd: {  	_ = 	snop;
	(pc) =	sbr.rel @p0 .LBB2_1-.Ltmp3, $4  }
0x1de: {  	[hbm4b:s6+s3] =	stream.linear.scatter [tilespmem:s10], [sflag:$0x1], $0x6400, $0x38;
	[tilespmem:$0xE500] =	vst v63  }
0x1df: {  	_ =	swait.ge [sflag:s9], $0x6400  }
0x1e0: {  	[sflag:s9] =	ssyncset.done $0x0  }
0x1e1: {  	[sflag:s9] =	ssyncadd.s32 $0xFFFF9C00  }
0x1e2: {  	_ =	sfence.sel $0x180000  }
0x1e3: {  	[bflag:$0x0] =	sbarrier.arrive $0xFFFF  }
0x1e4: {  	_ =	strace $0x90000047  }
0x1e5: {  	[bflag:$0x2] =	sbarrier.arrive $0xFFFF  }
0x1e6: {  	p0 =	sne.s32 s0, $0x0;
	s0 =	rddreg [dreg:$0x3]  }
0x1e7: {  	s0 =	sadd.s32 @!p0 $0x100000, s0  }
0x1e8: {  	[sflag:s0] =	ssyncadd.tile.s32 @!p0 $0x1;
	_ =	shalt  }
.Lfunc_end2:
_tile_overlayer_lowered:
.L_overlay_start_2:
0x1e9: {  	(tag) =	ssettag $0x2  }
0x1ea: {  	s0 =	rddreg [dreg:$0x0];
	s2 =	stileid.u32  }
0x1eb: {  	s1 =	rddreg [dreg:$0x1];
	p0 =	sne.s32 s2, $0x0  }
0x1ec: {  	s3 =	rddreg [dreg:$0x2];
	[bflag:$0x3] =	sbarrier.arrive $0xFFFF;
	s2 =	simm.s32 @!p0 $0x1C01  }
0x1ed: {  	[timem:s3], [sflag:s2] =	dma.local @!p0 [hbm:s0], s1  }
0x1ee: {  	s0 =	simm.s32 @!p0 $0x1  }
0x1ef: {  	_ =	swait.ge @!p0 [sflag:s0], s1  }
0x1f0: {  	s1 =	ssub.s32 @!p0 $0x0, s1;
	[sflag:s0] =	ssyncset.done @!p0 $0x0  }
0x1f1: {  	[sflag:s0] =	ssyncadd.s32 @!p0 s1  }
0x1f2: {  	[bflag:$0x3] =	sbarrier.arrive $0xFFFF  }
0x1f3: {  	_ =	shalt  }

</sc_bundles>
